<compile_context>
chip_gen: v7x
topology: tpu7x:2x2x1
jax: 0.10.2.dev20260603
libtpu: 0.0.44.dev20260713+nightly
codegen_flags: <defaults>
</compile_context>

<pallas_src>
import functools

import jax
import jax.numpy as jnp
from jax import lax
from jax.experimental import pallas as pl
from jax.experimental.pallas import tpu as pltpu
from jax.experimental.pallas import tpu_sc as plsc

_DIM = 64

_info = plsc.get_sparse_core_info()
_NC = _info.num_cores
_NS = _info.num_subcores
_NW = _NC * _NS

_NBUF = 8
_G = 4


def _make_gather(bsz: int, seq: int):
    assert bsz % (_NW * _NBUF) == 0
    r_per_w = bsz // _NW
    n_chunks = r_per_w
    n_steady = (n_chunks - _NBUF) // _NBUF
    mesh = plsc.VectorSubcoreMesh(core_axis_name="c", subcore_axis_name="s")

    @functools.partial(
        pl.kernel,
        out_type=jax.ShapeDtypeStruct((bsz, seq, _DIM), jnp.float32),
        mesh=mesh,
        scratch_types=[
            pltpu.VMEM((r_per_w, seq), jnp.int32),
            pltpu.VMEM((_NBUF, seq, _DIM), jnp.float32),
            pltpu.SemaphoreType.DMA((_NBUF,)),
            pltpu.SemaphoreType.DMA((_NBUF,)),
        ],
        compiler_params=pltpu.CompilerParams(use_tc_tiling_on_sc=False),
    )
    def gather_kernel(ids_hbm, table_hbm, out_hbm, idx_v, rows_v, gsem, wsem):
        wid = lax.axis_index("s") * _NC + lax.axis_index("c")
        base = wid * r_per_w
        pltpu.sync_copy(ids_hbm.at[pl.ds(base, r_per_w)], idx_v)

        def fire_gather(c, b):
            pltpu.async_copy(
                table_hbm.at[idx_v.at[c]],
                rows_v.at[b],
                gsem.at[b],
            )

        def drain_gather(b):
            pltpu.make_async_copy(
                table_hbm.at[pl.ds(0, seq)], rows_v.at[b], gsem.at[b]
            ).wait()

        def fire_write(c, b):
            pltpu.async_copy(
                rows_v.at[b],
                out_hbm.at[base + c],
                wsem.at[b],
            )

        def drain_write(b):
            pltpu.make_async_copy(
                table_hbm.at[pl.ds(0, seq)], rows_v.at[b], wsem.at[b]
            ).wait()

        for i in range(_G):
            fire_gather(i, i)
        for c in range(_NBUF - _G):
            drain_gather(c % _NBUF)
            fire_write(c, c % _NBUF)
            fire_gather(c + _G, (c + _G) % _NBUF)

        def superstep(s, _):
            for b4 in range(_NBUF):
                c = s * _NBUF + (_NBUF - _G) + b4
                bd = (_NBUF - _G + b4) % _NBUF
                bf = b4
                drain_gather(bd)
                fire_write(c, bd)
                drain_write(bf)
                fire_gather(c + _G, bf)
            return _

        lax.fori_loop(0, n_steady, superstep, 0)

        for c in range(n_chunks - _G, n_chunks):
            drain_gather(c % _NBUF)
            fire_write(c, c % _NBUF)
        for c in range(n_chunks - _NBUF, n_chunks):
            drain_write(c % _NBUF)

    return gather_kernel


def kernel(concept_ids, base_table):
    bsz, seq = concept_ids.shape
    return _make_gather(bsz, seq)(concept_ids, base_table)

# --- scband reference (transcript-rebuilt; emitter-appended) ---
"""Pipeline reference for scband-dynamic-concept-bank-45492293599567 (READ-ONLY COPY).

The authoritative reference and input builder live on the scoring server;
editing this copy changes nothing except your own understanding.
"""

import jax, jax.numpy as jnp
import numpy as np

BASE_VOCAB = 1000000
CONCEPT_DIM = 64
BATCH = 4096
SEQ_LEN = 200


def setup_inputs(seed: int = 0) -> dict:
    key = jax.random.key(seed)
    k_ids, k_tab = jax.random.split(key)
    # All ids are in [0, BASE_VOCAB) so only the base-embedding path is exercised
    # (the dynamic path in the original module uses per-element Python .item() loops
    # and is not batched compute).
    concept_ids = jax.random.randint(k_ids, (BATCH, SEQ_LEN), 0, BASE_VOCAB, dtype=jnp.int32)
    base_table = jax.random.normal(k_tab, (BASE_VOCAB, CONCEPT_DIM), dtype=jnp.float32)
    return {"concept_ids": concept_ids, "base_table": base_table}


def reference(concept_ids, base_table):
    # embeddings = zeros(B, S, D)
    # base_mask = concept_ids < base_vocab_size
    # embeddings[base_mask] = base_embeddings(concept_ids[base_mask])
    base_mask = concept_ids < BASE_VOCAB
    safe_ids = jnp.where(base_mask, concept_ids, 0)
    gathered = jnp.take(base_table, safe_ids, axis=0)  # [B, S, D]
    embeddings = jnp.where(base_mask[..., None], gathered, jnp.zeros_like(gathered))
    return embeddings


if False:  # reference __main__ guard neutralized (emitter)
    inp = setup_inputs()
    out = reference(**inp)
    print(out.shape, out.dtype)

if __name__ == "__main__":
    import jax
    _d = setup_inputs()
    print(jax.jit(kernel)(*tuple(_d.values())))

</pallas_src>

<mosaic_0001>
#map = affine_map<(d0, d1) -> (0, 0)>
#map1 = affine_map<(d0, d1) -> (0, 0, 0)>
module attributes {stable_mosaic.version = 14 : i64} {
  func.func @gather_kernel(%arg0: i32, %arg1: i32, %arg2: memref<4096x200xi32, #tpu.memory_space<hbm>>, %arg3: memref<1000000x64xf32, #tpu.memory_space<hbm>>, %arg4: memref<4096x200x64xf32, #tpu.memory_space<hbm>>, %arg5: memref<128x200xi32, #tpu.memory_space<vmem>>, %arg6: memref<8x200x64xf32, #tpu.memory_space<vmem>>, %arg7: memref<8x!tpu.dma_semaphore, #tpu.memory_space<semaphore_mem>>, %arg8: memref<8x!tpu.dma_semaphore, #tpu.memory_space<semaphore_mem>>) attributes {dimension_semantics = [#tpu.dimension_semantics<core_parallel>, #tpu.dimension_semantics<subcore_parallel>], iteration_bounds = array<i64: 2, 16>, scalar_prefetch = 0 : i64, scratch_operands = 4 : i64, tpu.core_type = #tpu.core_type<sc_vector_subcore>, window_params = [{transform_indices = #map}, {transform_indices = #map}, {transform_indices = #map1}]} {
    %mul3A = arith.constant 2 : i32
    %mul3A_0 = arith.muli %arg1, %mul3A : i32
    %add3A = arith.addi %mul3A_0, %arg0 : i32
    %mul3A_1 = arith.constant 128 : i32
    %mul3A_2 = arith.muli %add3A, %mul3A_1 : i32
    "tpu.region"() ({
      %run_scoped3A = tpu.sem_alloc : memref<!tpu.dma_semaphore, #tpu.memory_space<semaphore_mem>>
      %dma_start3A_590 = arith.constant 0 : i32
      %dma_start3A_591 = tpu.memref_slice %arg2[%mul3A_2, %dma_start3A_590] : memref<4096x200xi32, #tpu.memory_space<hbm>> -> memref<128x200xi32, #tpu.memory_space<hbm>>
      %dma_start3A_592 = arith.constant 0 : i32
      %dma_start3A_593 = tpu.memref_slice %arg2[%mul3A_2, %dma_start3A_592] : memref<4096x200xi32, #tpu.memory_space<hbm>> -> memref<128x200xi32, #tpu.memory_space<hbm>>
      tpu.enqueue_dma source(%dma_start3A_593 : memref<128x200xi32, #tpu.memory_space<hbm>>) target(%arg5 : memref<128x200xi32, #tpu.memory_space<vmem>>) target_semaphore(%run_scoped3A : memref<!tpu.dma_semaphore, #tpu.memory_space<semaphore_mem>>)
      %dma_wait3A_594 = arith.constant 0 : i32
      %dma_wait3A_595 = tpu.memref_slice %arg2[%mul3A_2, %dma_wait3A_594] : memref<4096x200xi32, #tpu.memory_space<hbm>> -> memref<128x200xi32, #tpu.memory_space<hbm>>
      %dma_wait3A_596 = arith.constant 0 : i32
      %dma_wait3A_597 = tpu.memref_slice %arg2[%mul3A_2, %dma_wait3A_596] : memref<4096x200xi32, #tpu.memory_space<hbm>> -> memref<128x200xi32, #tpu.memory_space<hbm>>
      tpu.wait_dma2 semaphore(%run_scoped3A : memref<!tpu.dma_semaphore, #tpu.memory_space<semaphore_mem>>) src(%dma_wait3A_597 : memref<128x200xi32, #tpu.memory_space<hbm>>) dst(%arg5 : memref<128x200xi32, #tpu.memory_space<vmem>>)
      tpu.yield
    }) : () -> ()
    %dma_start3A = arith.constant 0 : i32
    %dma_start3A_3 = arith.constant 0 : i32
    %dma_start3A_4 = arith.constant 0 : i32
    %dma_start3A_5 = arith.constant 0 : i32
    %dma_start3A_6 = arith.constant 0 : i32
    %dma_start3A_7 = tpu.memref_slice %arg6[%dma_start3A_3, %dma_start3A_5, %dma_start3A_6] : memref<8x200x64xf32, #tpu.memory_space<vmem>> -> memref<1x200x64xf32, #tpu.memory_space<vmem>>
    %dma_start3A_8 = tpu.memref_squeeze %dma_start3A_7 : memref<1x200x64xf32, #tpu.memory_space<vmem>> -> memref<200x64xf32, #tpu.memory_space<vmem>>
    %dma_start3A_9 = arith.constant 0 : i32
    %dma_start3A_10 = tpu.memref_slice %arg5[%dma_start3A, %dma_start3A_9] : memref<128x200xi32, #tpu.memory_space<vmem>> -> memref<1x200xi32, #tpu.memory_space<vmem>>
    %dma_start3A_11 = tpu.memref_squeeze %dma_start3A_10 : memref<1x200xi32, #tpu.memory_space<vmem>> -> memref<200xi32, #tpu.memory_space<vmem>>
    %dma_start3A_12 = arith.constant 0 : i32
    %dma_start3A_13 = arith.constant 0 : i32
    %dma_start3A_14 = tpu.memref_slice %arg3[%dma_start3A_12, %dma_start3A_13] : memref<1000000x64xf32, #tpu.memory_space<hbm>> -> memref<1000000x64xf32, #tpu.memory_space<hbm>>
    %dma_start3A_15 = tpu.memref_slice %arg7[%dma_start3A_4] : memref<8x!tpu.dma_semaphore, #tpu.memory_space<semaphore_mem>> -> memref<1x!tpu.dma_semaphore, #tpu.memory_space<semaphore_mem>>
    %dma_start3A_16 = tpu.memref_squeeze %dma_start3A_15 : memref<1x!tpu.dma_semaphore, #tpu.memory_space<semaphore_mem>> -> memref<!tpu.dma_semaphore, #tpu.memory_space<semaphore_mem>>
    tpu.enqueue_indirect_dma source(%dma_start3A_14 : memref<1000000x64xf32, #tpu.memory_space<hbm>>) target(%dma_start3A_8 : memref<200x64xf32, #tpu.memory_space<vmem>>) offsets(%dma_start3A_11 : memref<200xi32, #tpu.memory_space<vmem>>) semaphore(%dma_start3A_16 : memref<!tpu.dma_semaphore, #tpu.memory_space<semaphore_mem>>)
    %dma_start3A_17 = arith.constant 1 : i32
    %dma_start3A_18 = arith.constant 1 : i32
    %dma_start3A_19 = arith.constant 1 : i32
    %dma_start3A_20 = arith.constant 0 : i32
    %dma_start3A_21 = arith.constant 0 : i32
    %dma_start3A_22 = tpu.memref_slice %arg6[%dma_start3A_18, %dma_start3A_20, %dma_start3A_21] : memref<8x200x64xf32, #tpu.memory_space<vmem>> -> memref<1x200x64xf32, #tpu.memory_space<vmem>>
    %dma_start3A_23 = tpu.memref_squeeze %dma_start3A_22 : memref<1x200x64xf32, #tpu.memory_space<vmem>> -> memref<200x64xf32, #tpu.memory_space<vmem>>
    %dma_start3A_24 = arith.constant 0 : i32
    %dma_start3A_25 = tpu.memref_slice %arg5[%dma_start3A_17, %dma_start3A_24] : memref<128x200xi32, #tpu.memory_space<vmem>> -> memref<1x200xi32, #tpu.memory_space<vmem>>
    %dma_start3A_26 = tpu.memref_squeeze %dma_start3A_25 : memref<1x200xi32, #tpu.memory_space<vmem>> -> memref<200xi32, #tpu.memory_space<vmem>>
    %dma_start3A_27 = arith.constant 0 : i32
    %dma_start3A_28 = arith.constant 0 : i32
    %dma_start3A_29 = tpu.memref_slice %arg3[%dma_start3A_27, %dma_start3A_28] : memref<1000000x64xf32, #tpu.memory_space<hbm>> -> memref<1000000x64xf32, #tpu.memory_space<hbm>>
    %dma_start3A_30 = tpu.memref_slice %arg7[%dma_start3A_19] : memref<8x!tpu.dma_semaphore, #tpu.memory_space<semaphore_mem>> -> memref<1x!tpu.dma_semaphore, #tpu.memory_space<semaphore_mem>>
    %dma_start3A_31 = tpu.memref_squeeze %dma_start3A_30 : memref<1x!tpu.dma_semaphore, #tpu.memory_space<semaphore_mem>> -> memref<!tpu.dma_semaphore, #tpu.memory_space<semaphore_mem>>
    tpu.enqueue_indirect_dma source(%dma_start3A_29 : memref<1000000x64xf32, #tpu.memory_space<hbm>>) target(%dma_start3A_23 : memref<200x64xf32, #tpu.memory_space<vmem>>) offsets(%dma_start3A_26 : memref<200xi32, #tpu.memory_space<vmem>>) semaphore(%dma_start3A_31 : memref<!tpu.dma_semaphore, #tpu.memory_space<semaphore_mem>>)
    %dma_start3A_32 = arith.constant 2 : i32
    %dma_start3A_33 = arith.constant 2 : i32
    %dma_start3A_34 = arith.constant 2 : i32
    %dma_start3A_35 = arith.constant 0 : i32
    %dma_start3A_36 = arith.constant 0 : i32
    %dma_start3A_37 = tpu.memref_slice %arg6[%dma_start3A_33, %dma_start3A_35, %dma_start3A_36] : memref<8x200x64xf32, #tpu.memory_space<vmem>> -> memref<1x200x64xf32, #tpu.memory_space<vmem>>
    %dma_start3A_38 = tpu.memref_squeeze %dma_start3A_37 : memref<1x200x64xf32, #tpu.memory_space<vmem>> -> memref<200x64xf32, #tpu.memory_space<vmem>>
    %dma_start3A_39 = arith.constant 0 : i32
    %dma_start3A_40 = tpu.memref_slice %arg5[%dma_start3A_32, %dma_start3A_39] : memref<128x200xi32, #tpu.memory_space<vmem>> -> memref<1x200xi32, #tpu.memory_space<vmem>>
    %dma_start3A_41 = tpu.memref_squeeze %dma_start3A_40 : memref<1x200xi32, #tpu.memory_space<vmem>> -> memref<200xi32, #tpu.memory_space<vmem>>
    %dma_start3A_42 = arith.constant 0 : i32
    %dma_start3A_43 = arith.constant 0 : i32
    %dma_start3A_44 = tpu.memref_slice %arg3[%dma_start3A_42, %dma_start3A_43] : memref<1000000x64xf32, #tpu.memory_space<hbm>> -> memref<1000000x64xf32, #tpu.memory_space<hbm>>
    %dma_start3A_45 = tpu.memref_slice %arg7[%dma_start3A_34] : memref<8x!tpu.dma_semaphore, #tpu.memory_space<semaphore_mem>> -> memref<1x!tpu.dma_semaphore, #tpu.memory_space<semaphore_mem>>
    %dma_start3A_46 = tpu.memref_squeeze %dma_start3A_45 : memref<1x!tpu.dma_semaphore, #tpu.memory_space<semaphore_mem>> -> memref<!tpu.dma_semaphore, #tpu.memory_space<semaphore_mem>>
    tpu.enqueue_indirect_dma source(%dma_start3A_44 : memref<1000000x64xf32, #tpu.memory_space<hbm>>) target(%dma_start3A_38 : memref<200x64xf32, #tpu.memory_space<vmem>>) offsets(%dma_start3A_41 : memref<200xi32, #tpu.memory_space<vmem>>) semaphore(%dma_start3A_46 : memref<!tpu.dma_semaphore, #tpu.memory_space<semaphore_mem>>)
    %dma_start3A_47 = arith.constant 3 : i32
    %dma_start3A_48 = arith.constant 3 : i32
    %dma_start3A_49 = arith.constant 3 : i32
    %dma_start3A_50 = arith.constant 0 : i32
    %dma_start3A_51 = arith.constant 0 : i32
    %dma_start3A_52 = tpu.memref_slice %arg6[%dma_start3A_48, %dma_start3A_50, %dma_start3A_51] : memref<8x200x64xf32, #tpu.memory_space<vmem>> -> memref<1x200x64xf32, #tpu.memory_space<vmem>>
    %dma_start3A_53 = tpu.memref_squeeze %dma_start3A_52 : memref<1x200x64xf32, #tpu.memory_space<vmem>> -> memref<200x64xf32, #tpu.memory_space<vmem>>
    %dma_start3A_54 = arith.constant 0 : i32
    %dma_start3A_55 = tpu.memref_slice %arg5[%dma_start3A_47, %dma_start3A_54] : memref<128x200xi32, #tpu.memory_space<vmem>> -> memref<1x200xi32, #tpu.memory_space<vmem>>
    %dma_start3A_56 = tpu.memref_squeeze %dma_start3A_55 : memref<1x200xi32, #tpu.memory_space<vmem>> -> memref<200xi32, #tpu.memory_space<vmem>>
    %dma_start3A_57 = arith.constant 0 : i32
    %dma_start3A_58 = arith.constant 0 : i32
    %dma_start3A_59 = tpu.memref_slice %arg3[%dma_start3A_57, %dma_start3A_58] : memref<1000000x64xf32, #tpu.memory_space<hbm>> -> memref<1000000x64xf32, #tpu.memory_space<hbm>>
    %dma_start3A_60 = tpu.memref_slice %arg7[%dma_start3A_49] : memref<8x!tpu.dma_semaphore, #tpu.memory_space<semaphore_mem>> -> memref<1x!tpu.dma_semaphore, #tpu.memory_space<semaphore_mem>>
    %dma_start3A_61 = tpu.memref_squeeze %dma_start3A_60 : memref<1x!tpu.dma_semaphore, #tpu.memory_space<semaphore_mem>> -> memref<!tpu.dma_semaphore, #tpu.memory_space<semaphore_mem>>
    tpu.enqueue_indirect_dma source(%dma_start3A_59 : memref<1000000x64xf32, #tpu.memory_space<hbm>>) target(%dma_start3A_53 : memref<200x64xf32, #tpu.memory_space<vmem>>) offsets(%dma_start3A_56 : memref<200xi32, #tpu.memory_space<vmem>>) semaphore(%dma_start3A_61 : memref<!tpu.dma_semaphore, #tpu.memory_space<semaphore_mem>>)
    %dma_wait3A = arith.constant 0 : i32
    %dma_wait3A_62 = arith.constant 0 : i32
    %dma_wait3A_63 = arith.constant 0 : i32
    %dma_wait3A_64 = arith.constant 0 : i32
    %dma_wait3A_65 = tpu.memref_slice %arg6[%dma_wait3A, %dma_wait3A_63, %dma_wait3A_64] : memref<8x200x64xf32, #tpu.memory_space<vmem>> -> memref<1x200x64xf32, #tpu.memory_space<vmem>>
    %dma_wait3A_66 = tpu.memref_squeeze %dma_wait3A_65 : memref<1x200x64xf32, #tpu.memory_space<vmem>> -> memref<200x64xf32, #tpu.memory_space<vmem>>
    %dma_wait3A_67 = arith.constant 0 : i32
    %dma_wait3A_68 = arith.constant 0 : i32
    %dma_wait3A_69 = tpu.memref_slice %arg3[%dma_wait3A_67, %dma_wait3A_68] : memref<1000000x64xf32, #tpu.memory_space<hbm>> -> memref<200x64xf32, #tpu.memory_space<hbm>>
    %dma_wait3A_70 = tpu.memref_slice %arg7[%dma_wait3A_62] : memref<8x!tpu.dma_semaphore, #tpu.memory_space<semaphore_mem>> -> memref<1x!tpu.dma_semaphore, #tpu.memory_space<semaphore_mem>>
    %dma_wait3A_71 = tpu.memref_squeeze %dma_wait3A_70 : memref<1x!tpu.dma_semaphore, #tpu.memory_space<semaphore_mem>> -> memref<!tpu.dma_semaphore, #tpu.memory_space<semaphore_mem>>
    %dma_wait3A_72 = arith.constant 0 : i32
    %dma_wait3A_73 = arith.constant 0 : i32
    %dma_wait3A_74 = tpu.memref_slice %arg6[%dma_wait3A, %dma_wait3A_72, %dma_wait3A_73] : memref<8x200x64xf32, #tpu.memory_space<vmem>> -> memref<1x200x64xf32, #tpu.memory_space<vmem>>
    %dma_wait3A_75 = tpu.memref_squeeze %dma_wait3A_74 : memref<1x200x64xf32, #tpu.memory_space<vmem>> -> memref<200x64xf32, #tpu.memory_space<vmem>>
    %dma_wait3A_76 = arith.constant 0 : i32
    %dma_wait3A_77 = arith.constant 0 : i32
    %dma_wait3A_78 = tpu.memref_slice %arg3[%dma_wait3A_76, %dma_wait3A_77] : memref<1000000x64xf32, #tpu.memory_space<hbm>> -> memref<200x64xf32, #tpu.memory_space<hbm>>
    tpu.wait_dma2 semaphore(%dma_wait3A_71 : memref<!tpu.dma_semaphore, #tpu.memory_space<semaphore_mem>>) src(%dma_wait3A_78 : memref<200x64xf32, #tpu.memory_space<hbm>>) dst(%dma_wait3A_75 : memref<200x64xf32, #tpu.memory_space<vmem>>)
    %add3A_79 = arith.constant 0 : i32
    %add3A_80 = arith.addi %mul3A_2, %add3A_79 : i32
    %dma_start3A_81 = arith.constant 0 : i32
    %dma_start3A_82 = arith.constant 0 : i32
    %dma_start3A_83 = arith.constant 0 : i32
    %dma_start3A_84 = arith.constant 0 : i32
    %dma_start3A_85 = tpu.memref_slice %arg6[%dma_start3A_81, %dma_start3A_83, %dma_start3A_84] : memref<8x200x64xf32, #tpu.memory_space<vmem>> -> memref<1x200x64xf32, #tpu.memory_space<vmem>>
    %dma_start3A_86 = tpu.memref_squeeze %dma_start3A_85 : memref<1x200x64xf32, #tpu.memory_space<vmem>> -> memref<200x64xf32, #tpu.memory_space<vmem>>
    %dma_start3A_87 = arith.constant 0 : i32
    %dma_start3A_88 = arith.constant 0 : i32
    %dma_start3A_89 = tpu.memref_slice %arg4[%add3A_80, %dma_start3A_87, %dma_start3A_88] : memref<4096x200x64xf32, #tpu.memory_space<hbm>> -> memref<1x200x64xf32, #tpu.memory_space<hbm>>
    %dma_start3A_90 = tpu.memref_squeeze %dma_start3A_89 : memref<1x200x64xf32, #tpu.memory_space<hbm>> -> memref<200x64xf32, #tpu.memory_space<hbm>>
    %dma_start3A_91 = tpu.memref_slice %arg8[%dma_start3A_82] : memref<8x!tpu.dma_semaphore, #tpu.memory_space<semaphore_mem>> -> memref<1x!tpu.dma_semaphore, #tpu.memory_space<semaphore_mem>>
    %dma_start3A_92 = tpu.memref_squeeze %dma_start3A_91 : memref<1x!tpu.dma_semaphore, #tpu.memory_space<semaphore_mem>> -> memref<!tpu.dma_semaphore, #tpu.memory_space<semaphore_mem>>
    %dma_start3A_93 = arith.constant 0 : i32
    %dma_start3A_94 = arith.constant 0 : i32
    %dma_start3A_95 = tpu.memref_slice %arg4[%add3A_80, %dma_start3A_93, %dma_start3A_94] : memref<4096x200x64xf32, #tpu.memory_space<hbm>> -> memref<1x200x64xf32, #tpu.memory_space<hbm>>
    %dma_start3A_96 = tpu.memref_squeeze %dma_start3A_95 : memref<1x200x64xf32, #tpu.memory_space<hbm>> -> memref<200x64xf32, #tpu.memory_space<hbm>>
    %dma_start3A_97 = arith.constant 0 : i32
    %dma_start3A_98 = arith.constant 0 : i32
    %dma_start3A_99 = tpu.memref_slice %arg6[%dma_start3A_81, %dma_start3A_97, %dma_start3A_98] : memref<8x200x64xf32, #tpu.memory_space<vmem>> -> memref<1x200x64xf32, #tpu.memory_space<vmem>>
    %dma_start3A_100 = tpu.memref_squeeze %dma_start3A_99 : memref<1x200x64xf32, #tpu.memory_space<vmem>> -> memref<200x64xf32, #tpu.memory_space<vmem>>
    tpu.enqueue_dma source(%dma_start3A_100 : memref<200x64xf32, #tpu.memory_space<vmem>>) target(%dma_start3A_96 : memref<200x64xf32, #tpu.memory_space<hbm>>) target_semaphore(%dma_start3A_92 : memref<!tpu.dma_semaphore, #tpu.memory_space<semaphore_mem>>)
    %dma_start3A_101 = arith.constant 4 : i32
    %dma_start3A_102 = arith.constant 4 : i32
    %dma_start3A_103 = arith.constant 4 : i32
    %dma_start3A_104 = arith.constant 0 : i32
    %dma_start3A_105 = arith.constant 0 : i32
    %dma_start3A_106 = tpu.memref_slice %arg6[%dma_start3A_102, %dma_start3A_104, %dma_start3A_105] : memref<8x200x64xf32, #tpu.memory_space<vmem>> -> memref<1x200x64xf32, #tpu.memory_space<vmem>>
    %dma_start3A_107 = tpu.memref_squeeze %dma_start3A_106 : memref<1x200x64xf32, #tpu.memory_space<vmem>> -> memref<200x64xf32, #tpu.memory_space<vmem>>
    %dma_start3A_108 = arith.constant 0 : i32
    %dma_start3A_109 = tpu.memref_slice %arg5[%dma_start3A_101, %dma_start3A_108] : memref<128x200xi32, #tpu.memory_space<vmem>> -> memref<1x200xi32, #tpu.memory_space<vmem>>
    %dma_start3A_110 = tpu.memref_squeeze %dma_start3A_109 : memref<1x200xi32, #tpu.memory_space<vmem>> -> memref<200xi32, #tpu.memory_space<vmem>>
    %dma_start3A_111 = arith.constant 0 : i32
    %dma_start3A_112 = arith.constant 0 : i32
    %dma_start3A_113 = tpu.memref_slice %arg3[%dma_start3A_111, %dma_start3A_112] : memref<1000000x64xf32, #tpu.memory_space<hbm>> -> memref<1000000x64xf32, #tpu.memory_space<hbm>>
    %dma_start3A_114 = tpu.memref_slice %arg7[%dma_start3A_103] : memref<8x!tpu.dma_semaphore, #tpu.memory_space<semaphore_mem>> -> memref<1x!tpu.dma_semaphore, #tpu.memory_space<semaphore_mem>>
    %dma_start3A_115 = tpu.memref_squeeze %dma_start3A_114 : memref<1x!tpu.dma_semaphore, #tpu.memory_space<semaphore_mem>> -> memref<!tpu.dma_semaphore, #tpu.memory_space<semaphore_mem>>
    tpu.enqueue_indirect_dma source(%dma_start3A_113 : memref<1000000x64xf32, #tpu.memory_space<hbm>>) target(%dma_start3A_107 : memref<200x64xf32, #tpu.memory_space<vmem>>) offsets(%dma_start3A_110 : memref<200xi32, #tpu.memory_space<vmem>>) semaphore(%dma_start3A_115 : memref<!tpu.dma_semaphore, #tpu.memory_space<semaphore_mem>>)
    %dma_wait3A_116 = arith.constant 1 : i32
    %dma_wait3A_117 = arith.constant 1 : i32
    %dma_wait3A_118 = arith.constant 0 : i32
    %dma_wait3A_119 = arith.constant 0 : i32
    %dma_wait3A_120 = tpu.memref_slice %arg6[%dma_wait3A_116, %dma_wait3A_118, %dma_wait3A_119] : memref<8x200x64xf32, #tpu.memory_space<vmem>> -> memref<1x200x64xf32, #tpu.memory_space<vmem>>
    %dma_wait3A_121 = tpu.memref_squeeze %dma_wait3A_120 : memref<1x200x64xf32, #tpu.memory_space<vmem>> -> memref<200x64xf32, #tpu.memory_space<vmem>>
    %dma_wait3A_122 = arith.constant 0 : i32
    %dma_wait3A_123 = arith.constant 0 : i32
    %dma_wait3A_124 = tpu.memref_slice %arg3[%dma_wait3A_122, %dma_wait3A_123] : memref<1000000x64xf32, #tpu.memory_space<hbm>> -> memref<200x64xf32, #tpu.memory_space<hbm>>
    %dma_wait3A_125 = tpu.memref_slice %arg7[%dma_wait3A_117] : memref<8x!tpu.dma_semaphore, #tpu.memory_space<semaphore_mem>> -> memref<1x!tpu.dma_semaphore, #tpu.memory_space<semaphore_mem>>
    %dma_wait3A_126 = tpu.memref_squeeze %dma_wait3A_125 : memref<1x!tpu.dma_semaphore, #tpu.memory_space<semaphore_mem>> -> memref<!tpu.dma_semaphore, #tpu.memory_space<semaphore_mem>>
    %dma_wait3A_127 = arith.constant 0 : i32
    %dma_wait3A_128 = arith.constant 0 : i32
    %dma_wait3A_129 = tpu.memref_slice %arg6[%dma_wait3A_116, %dma_wait3A_127, %dma_wait3A_128] : memref<8x200x64xf32, #tpu.memory_space<vmem>> -> memref<1x200x64xf32, #tpu.memory_space<vmem>>
    %dma_wait3A_130 = tpu.memref_squeeze %dma_wait3A_129 : memref<1x200x64xf32, #tpu.memory_space<vmem>> -> memref<200x64xf32, #tpu.memory_space<vmem>>
    %dma_wait3A_131 = arith.constant 0 : i32
    %dma_wait3A_132 = arith.constant 0 : i32
    %dma_wait3A_133 = tpu.memref_slice %arg3[%dma_wait3A_131, %dma_wait3A_132] : memref<1000000x64xf32, #tpu.memory_space<hbm>> -> memref<200x64xf32, #tpu.memory_space<hbm>>
    tpu.wait_dma2 semaphore(%dma_wait3A_126 : memref<!tpu.dma_semaphore, #tpu.memory_space<semaphore_mem>>) src(%dma_wait3A_133 : memref<200x64xf32, #tpu.memory_space<hbm>>) dst(%dma_wait3A_130 : memref<200x64xf32, #tpu.memory_space<vmem>>)
    %add3A_134 = arith.constant 1 : i32
    %add3A_135 = arith.addi %mul3A_2, %add3A_134 : i32
    %dma_start3A_136 = arith.constant 1 : i32
    %dma_start3A_137 = arith.constant 1 : i32
    %dma_start3A_138 = arith.constant 0 : i32
    %dma_start3A_139 = arith.constant 0 : i32
    %dma_start3A_140 = tpu.memref_slice %arg6[%dma_start3A_136, %dma_start3A_138, %dma_start3A_139] : memref<8x200x64xf32, #tpu.memory_space<vmem>> -> memref<1x200x64xf32, #tpu.memory_space<vmem>>
    %dma_start3A_141 = tpu.memref_squeeze %dma_start3A_140 : memref<1x200x64xf32, #tpu.memory_space<vmem>> -> memref<200x64xf32, #tpu.memory_space<vmem>>
    %dma_start3A_142 = arith.constant 0 : i32
    %dma_start3A_143 = arith.constant 0 : i32
    %dma_start3A_144 = tpu.memref_slice %arg4[%add3A_135, %dma_start3A_142, %dma_start3A_143] : memref<4096x200x64xf32, #tpu.memory_space<hbm>> -> memref<1x200x64xf32, #tpu.memory_space<hbm>>
    %dma_start3A_145 = tpu.memref_squeeze %dma_start3A_144 : memref<1x200x64xf32, #tpu.memory_space<hbm>> -> memref<200x64xf32, #tpu.memory_space<hbm>>
    %dma_start3A_146 = tpu.memref_slice %arg8[%dma_start3A_137] : memref<8x!tpu.dma_semaphore, #tpu.memory_space<semaphore_mem>> -> memref<1x!tpu.dma_semaphore, #tpu.memory_space<semaphore_mem>>
    %dma_start3A_147 = tpu.memref_squeeze %dma_start3A_146 : memref<1x!tpu.dma_semaphore, #tpu.memory_space<semaphore_mem>> -> memref<!tpu.dma_semaphore, #tpu.memory_space<semaphore_mem>>
    %dma_start3A_148 = arith.constant 0 : i32
    %dma_start3A_149 = arith.constant 0 : i32
    %dma_start3A_150 = tpu.memref_slice %arg4[%add3A_135, %dma_start3A_148, %dma_start3A_149] : memref<4096x200x64xf32, #tpu.memory_space<hbm>> -> memref<1x200x64xf32, #tpu.memory_space<hbm>>
    %dma_start3A_151 = tpu.memref_squeeze %dma_start3A_150 : memref<1x200x64xf32, #tpu.memory_space<hbm>> -> memref<200x64xf32, #tpu.memory_space<hbm>>
    %dma_start3A_152 = arith.constant 0 : i32
    %dma_start3A_153 = arith.constant 0 : i32
    %dma_start3A_154 = tpu.memref_slice %arg6[%dma_start3A_136, %dma_start3A_152, %dma_start3A_153] : memref<8x200x64xf32, #tpu.memory_space<vmem>> -> memref<1x200x64xf32, #tpu.memory_space<vmem>>
    %dma_start3A_155 = tpu.memref_squeeze %dma_start3A_154 : memref<1x200x64xf32, #tpu.memory_space<vmem>> -> memref<200x64xf32, #tpu.memory_space<vmem>>
    tpu.enqueue_dma source(%dma_start3A_155 : memref<200x64xf32, #tpu.memory_space<vmem>>) target(%dma_start3A_151 : memref<200x64xf32, #tpu.memory_space<hbm>>) target_semaphore(%dma_start3A_147 : memref<!tpu.dma_semaphore, #tpu.memory_space<semaphore_mem>>)
    %dma_start3A_156 = arith.constant 5 : i32
    %dma_start3A_157 = arith.constant 5 : i32
    %dma_start3A_158 = arith.constant 5 : i32
    %dma_start3A_159 = arith.constant 0 : i32
    %dma_start3A_160 = arith.constant 0 : i32
    %dma_start3A_161 = tpu.memref_slice %arg6[%dma_start3A_157, %dma_start3A_159, %dma_start3A_160] : memref<8x200x64xf32, #tpu.memory_space<vmem>> -> memref<1x200x64xf32, #tpu.memory_space<vmem>>
    %dma_start3A_162 = tpu.memref_squeeze %dma_start3A_161 : memref<1x200x64xf32, #tpu.memory_space<vmem>> -> memref<200x64xf32, #tpu.memory_space<vmem>>
    %dma_start3A_163 = arith.constant 0 : i32
    %dma_start3A_164 = tpu.memref_slice %arg5[%dma_start3A_156, %dma_start3A_163] : memref<128x200xi32, #tpu.memory_space<vmem>> -> memref<1x200xi32, #tpu.memory_space<vmem>>
    %dma_start3A_165 = tpu.memref_squeeze %dma_start3A_164 : memref<1x200xi32, #tpu.memory_space<vmem>> -> memref<200xi32, #tpu.memory_space<vmem>>
    %dma_start3A_166 = arith.constant 0 : i32
    %dma_start3A_167 = arith.constant 0 : i32
    %dma_start3A_168 = tpu.memref_slice %arg3[%dma_start3A_166, %dma_start3A_167] : memref<1000000x64xf32, #tpu.memory_space<hbm>> -> memref<1000000x64xf32, #tpu.memory_space<hbm>>
    %dma_start3A_169 = tpu.memref_slice %arg7[%dma_start3A_158] : memref<8x!tpu.dma_semaphore, #tpu.memory_space<semaphore_mem>> -> memref<1x!tpu.dma_semaphore, #tpu.memory_space<semaphore_mem>>
    %dma_start3A_170 = tpu.memref_squeeze %dma_start3A_169 : memref<1x!tpu.dma_semaphore, #tpu.memory_space<semaphore_mem>> -> memref<!tpu.dma_semaphore, #tpu.memory_space<semaphore_mem>>
    tpu.enqueue_indirect_dma source(%dma_start3A_168 : memref<1000000x64xf32, #tpu.memory_space<hbm>>) target(%dma_start3A_162 : memref<200x64xf32, #tpu.memory_space<vmem>>) offsets(%dma_start3A_165 : memref<200xi32, #tpu.memory_space<vmem>>) semaphore(%dma_start3A_170 : memref<!tpu.dma_semaphore, #tpu.memory_space<semaphore_mem>>)
    %dma_wait3A_171 = arith.constant 2 : i32
    %dma_wait3A_172 = arith.constant 2 : i32
    %dma_wait3A_173 = arith.constant 0 : i32
    %dma_wait3A_174 = arith.constant 0 : i32
    %dma_wait3A_175 = tpu.memref_slice %arg6[%dma_wait3A_171, %dma_wait3A_173, %dma_wait3A_174] : memref<8x200x64xf32, #tpu.memory_space<vmem>> -> memref<1x200x64xf32, #tpu.memory_space<vmem>>
    %dma_wait3A_176 = tpu.memref_squeeze %dma_wait3A_175 : memref<1x200x64xf32, #tpu.memory_space<vmem>> -> memref<200x64xf32, #tpu.memory_space<vmem>>
    %dma_wait3A_177 = arith.constant 0 : i32
    %dma_wait3A_178 = arith.constant 0 : i32
    %dma_wait3A_179 = tpu.memref_slice %arg3[%dma_wait3A_177, %dma_wait3A_178] : memref<1000000x64xf32, #tpu.memory_space<hbm>> -> memref<200x64xf32, #tpu.memory_space<hbm>>
    %dma_wait3A_180 = tpu.memref_slice %arg7[%dma_wait3A_172] : memref<8x!tpu.dma_semaphore, #tpu.memory_space<semaphore_mem>> -> memref<1x!tpu.dma_semaphore, #tpu.memory_space<semaphore_mem>>
    %dma_wait3A_181 = tpu.memref_squeeze %dma_wait3A_180 : memref<1x!tpu.dma_semaphore, #tpu.memory_space<semaphore_mem>> -> memref<!tpu.dma_semaphore, #tpu.memory_space<semaphore_mem>>
    %dma_wait3A_182 = arith.constant 0 : i32
    %dma_wait3A_183 = arith.constant 0 : i32
    %dma_wait3A_184 = tpu.memref_slice %arg6[%dma_wait3A_171, %dma_wait3A_182, %dma_wait3A_183] : memref<8x200x64xf32, #tpu.memory_space<vmem>> -> memref<1x200x64xf32, #tpu.memory_space<vmem>>
    %dma_wait3A_185 = tpu.memref_squeeze %dma_wait3A_184 : memref<1x200x64xf32, #tpu.memory_space<vmem>> -> memref<200x64xf32, #tpu.memory_space<vmem>>
    %dma_wait3A_186 = arith.constant 0 : i32
    %dma_wait3A_187 = arith.constant 0 : i32
    %dma_wait3A_188 = tpu.memref_slice %arg3[%dma_wait3A_186, %dma_wait3A_187] : memref<1000000x64xf32, #tpu.memory_space<hbm>> -> memref<200x64xf32, #tpu.memory_space<hbm>>
    tpu.wait_dma2 semaphore(%dma_wait3A_181 : memref<!tpu.dma_semaphore, #tpu.memory_space<semaphore_mem>>) src(%dma_wait3A_188 : memref<200x64xf32, #tpu.memory_space<hbm>>) dst(%dma_wait3A_185 : memref<200x64xf32, #tpu.memory_space<vmem>>)
    %add3A_189 = arith.constant 2 : i32
    %add3A_190 = arith.addi %mul3A_2, %add3A_189 : i32
    %dma_start3A_191 = arith.constant 2 : i32
    %dma_start3A_192 = arith.constant 2 : i32
    %dma_start3A_193 = arith.constant 0 : i32
    %dma_start3A_194 = arith.constant 0 : i32
    %dma_start3A_195 = tpu.memref_slice %arg6[%dma_start3A_191, %dma_start3A_193, %dma_start3A_194] : memref<8x200x64xf32, #tpu.memory_space<vmem>> -> memref<1x200x64xf32, #tpu.memory_space<vmem>>
    %dma_start3A_196 = tpu.memref_squeeze %dma_start3A_195 : memref<1x200x64xf32, #tpu.memory_space<vmem>> -> memref<200x64xf32, #tpu.memory_space<vmem>>
    %dma_start3A_197 = arith.constant 0 : i32
    %dma_start3A_198 = arith.constant 0 : i32
    %dma_start3A_199 = tpu.memref_slice %arg4[%add3A_190, %dma_start3A_197, %dma_start3A_198] : memref<4096x200x64xf32, #tpu.memory_space<hbm>> -> memref<1x200x64xf32, #tpu.memory_space<hbm>>
    %dma_start3A_200 = tpu.memref_squeeze %dma_start3A_199 : memref<1x200x64xf32, #tpu.memory_space<hbm>> -> memref<200x64xf32, #tpu.memory_space<hbm>>
    %dma_start3A_201 = tpu.memref_slice %arg8[%dma_start3A_192] : memref<8x!tpu.dma_semaphore, #tpu.memory_space<semaphore_mem>> -> memref<1x!tpu.dma_semaphore, #tpu.memory_space<semaphore_mem>>
    %dma_start3A_202 = tpu.memref_squeeze %dma_start3A_201 : memref<1x!tpu.dma_semaphore, #tpu.memory_space<semaphore_mem>> -> memref<!tpu.dma_semaphore, #tpu.memory_space<semaphore_mem>>
    %dma_start3A_203 = arith.constant 0 : i32
    %dma_start3A_204 = arith.constant 0 : i32
    %dma_start3A_205 = tpu.memref_slice %arg4[%add3A_190, %dma_start3A_203, %dma_start3A_204] : memref<4096x200x64xf32, #tpu.memory_space<hbm>> -> memref<1x200x64xf32, #tpu.memory_space<hbm>>
    %dma_start3A_206 = tpu.memref_squeeze %dma_start3A_205 : memref<1x200x64xf32, #tpu.memory_space<hbm>> -> memref<200x64xf32, #tpu.memory_space<hbm>>
    %dma_start3A_207 = arith.constant 0 : i32
    %dma_start3A_208 = arith.constant 0 : i32
    %dma_start3A_209 = tpu.memref_slice %arg6[%dma_start3A_191, %dma_start3A_207, %dma_start3A_208] : memref<8x200x64xf32, #tpu.memory_space<vmem>> -> memref<1x200x64xf32, #tpu.memory_space<vmem>>
    %dma_start3A_210 = tpu.memref_squeeze %dma_start3A_209 : memref<1x200x64xf32, #tpu.memory_space<vmem>> -> memref<200x64xf32, #tpu.memory_space<vmem>>
    tpu.enqueue_dma source(%dma_start3A_210 : memref<200x64xf32, #tpu.memory_space<vmem>>) target(%dma_start3A_206 : memref<200x64xf32, #tpu.memory_space<hbm>>) target_semaphore(%dma_start3A_202 : memref<!tpu.dma_semaphore, #tpu.memory_space<semaphore_mem>>)
    %dma_start3A_211 = arith.constant 6 : i32
    %dma_start3A_212 = arith.constant 6 : i32
    %dma_start3A_213 = arith.constant 6 : i32
    %dma_start3A_214 = arith.constant 0 : i32
    %dma_start3A_215 = arith.constant 0 : i32
    %dma_start3A_216 = tpu.memref_slice %arg6[%dma_start3A_212, %dma_start3A_214, %dma_start3A_215] : memref<8x200x64xf32, #tpu.memory_space<vmem>> -> memref<1x200x64xf32, #tpu.memory_space<vmem>>
    %dma_start3A_217 = tpu.memref_squeeze %dma_start3A_216 : memref<1x200x64xf32, #tpu.memory_space<vmem>> -> memref<200x64xf32, #tpu.memory_space<vmem>>
    %dma_start3A_218 = arith.constant 0 : i32
    %dma_start3A_219 = tpu.memref_slice %arg5[%dma_start3A_211, %dma_start3A_218] : memref<128x200xi32, #tpu.memory_space<vmem>> -> memref<1x200xi32, #tpu.memory_space<vmem>>
    %dma_start3A_220 = tpu.memref_squeeze %dma_start3A_219 : memref<1x200xi32, #tpu.memory_space<vmem>> -> memref<200xi32, #tpu.memory_space<vmem>>
    %dma_start3A_221 = arith.constant 0 : i32
    %dma_start3A_222 = arith.constant 0 : i32
    %dma_start3A_223 = tpu.memref_slice %arg3[%dma_start3A_221, %dma_start3A_222] : memref<1000000x64xf32, #tpu.memory_space<hbm>> -> memref<1000000x64xf32, #tpu.memory_space<hbm>>
    %dma_start3A_224 = tpu.memref_slice %arg7[%dma_start3A_213] : memref<8x!tpu.dma_semaphore, #tpu.memory_space<semaphore_mem>> -> memref<1x!tpu.dma_semaphore, #tpu.memory_space<semaphore_mem>>
    %dma_start3A_225 = tpu.memref_squeeze %dma_start3A_224 : memref<1x!tpu.dma_semaphore, #tpu.memory_space<semaphore_mem>> -> memref<!tpu.dma_semaphore, #tpu.memory_space<semaphore_mem>>
    tpu.enqueue_indirect_dma source(%dma_start3A_223 : memref<1000000x64xf32, #tpu.memory_space<hbm>>) target(%dma_start3A_217 : memref<200x64xf32, #tpu.memory_space<vmem>>) offsets(%dma_start3A_220 : memref<200xi32, #tpu.memory_space<vmem>>) semaphore(%dma_start3A_225 : memref<!tpu.dma_semaphore, #tpu.memory_space<semaphore_mem>>)
    %dma_wait3A_226 = arith.constant 3 : i32
    %dma_wait3A_227 = arith.constant 3 : i32
    %dma_wait3A_228 = arith.constant 0 : i32
    %dma_wait3A_229 = arith.constant 0 : i32
    %dma_wait3A_230 = tpu.memref_slice %arg6[%dma_wait3A_226, %dma_wait3A_228, %dma_wait3A_229] : memref<8x200x64xf32, #tpu.memory_space<vmem>> -> memref<1x200x64xf32, #tpu.memory_space<vmem>>
    %dma_wait3A_231 = tpu.memref_squeeze %dma_wait3A_230 : memref<1x200x64xf32, #tpu.memory_space<vmem>> -> memref<200x64xf32, #tpu.memory_space<vmem>>
    %dma_wait3A_232 = arith.constant 0 : i32
    %dma_wait3A_233 = arith.constant 0 : i32
    %dma_wait3A_234 = tpu.memref_slice %arg3[%dma_wait3A_232, %dma_wait3A_233] : memref<1000000x64xf32, #tpu.memory_space<hbm>> -> memref<200x64xf32, #tpu.memory_space<hbm>>
    %dma_wait3A_235 = tpu.memref_slice %arg7[%dma_wait3A_227] : memref<8x!tpu.dma_semaphore, #tpu.memory_space<semaphore_mem>> -> memref<1x!tpu.dma_semaphore, #tpu.memory_space<semaphore_mem>>
    %dma_wait3A_236 = tpu.memref_squeeze %dma_wait3A_235 : memref<1x!tpu.dma_semaphore, #tpu.memory_space<semaphore_mem>> -> memref<!tpu.dma_semaphore, #tpu.memory_space<semaphore_mem>>
    %dma_wait3A_237 = arith.constant 0 : i32
    %dma_wait3A_238 = arith.constant 0 : i32
    %dma_wait3A_239 = tpu.memref_slice %arg6[%dma_wait3A_226, %dma_wait3A_237, %dma_wait3A_238] : memref<8x200x64xf32, #tpu.memory_space<vmem>> -> memref<1x200x64xf32, #tpu.memory_space<vmem>>
    %dma_wait3A_240 = tpu.memref_squeeze %dma_wait3A_239 : memref<1x200x64xf32, #tpu.memory_space<vmem>> -> memref<200x64xf32, #tpu.memory_space<vmem>>
    %dma_wait3A_241 = arith.constant 0 : i32
    %dma_wait3A_242 = arith.constant 0 : i32
    %dma_wait3A_243 = tpu.memref_slice %arg3[%dma_wait3A_241, %dma_wait3A_242] : memref<1000000x64xf32, #tpu.memory_space<hbm>> -> memref<200x64xf32, #tpu.memory_space<hbm>>
    tpu.wait_dma2 semaphore(%dma_wait3A_236 : memref<!tpu.dma_semaphore, #tpu.memory_space<semaphore_mem>>) src(%dma_wait3A_243 : memref<200x64xf32, #tpu.memory_space<hbm>>) dst(%dma_wait3A_240 : memref<200x64xf32, #tpu.memory_space<vmem>>)
    %add3A_244 = arith.constant 3 : i32
    %add3A_245 = arith.addi %mul3A_2, %add3A_244 : i32
    %dma_start3A_246 = arith.constant 3 : i32
    %dma_start3A_247 = arith.constant 3 : i32
    %dma_start3A_248 = arith.constant 0 : i32
    %dma_start3A_249 = arith.constant 0 : i32
    %dma_start3A_250 = tpu.memref_slice %arg6[%dma_start3A_246, %dma_start3A_248, %dma_start3A_249] : memref<8x200x64xf32, #tpu.memory_space<vmem>> -> memref<1x200x64xf32, #tpu.memory_space<vmem>>
    %dma_start3A_251 = tpu.memref_squeeze %dma_start3A_250 : memref<1x200x64xf32, #tpu.memory_space<vmem>> -> memref<200x64xf32, #tpu.memory_space<vmem>>
    %dma_start3A_252 = arith.constant 0 : i32
    %dma_start3A_253 = arith.constant 0 : i32
    %dma_start3A_254 = tpu.memref_slice %arg4[%add3A_245, %dma_start3A_252, %dma_start3A_253] : memref<4096x200x64xf32, #tpu.memory_space<hbm>> -> memref<1x200x64xf32, #tpu.memory_space<hbm>>
    %dma_start3A_255 = tpu.memref_squeeze %dma_start3A_254 : memref<1x200x64xf32, #tpu.memory_space<hbm>> -> memref<200x64xf32, #tpu.memory_space<hbm>>
    %dma_start3A_256 = tpu.memref_slice %arg8[%dma_start3A_247] : memref<8x!tpu.dma_semaphore, #tpu.memory_space<semaphore_mem>> -> memref<1x!tpu.dma_semaphore, #tpu.memory_space<semaphore_mem>>
    %dma_start3A_257 = tpu.memref_squeeze %dma_start3A_256 : memref<1x!tpu.dma_semaphore, #tpu.memory_space<semaphore_mem>> -> memref<!tpu.dma_semaphore, #tpu.memory_space<semaphore_mem>>
    %dma_start3A_258 = arith.constant 0 : i32
    %dma_start3A_259 = arith.constant 0 : i32
    %dma_start3A_260 = tpu.memref_slice %arg4[%add3A_245, %dma_start3A_258, %dma_start3A_259] : memref<4096x200x64xf32, #tpu.memory_space<hbm>> -> memref<1x200x64xf32, #tpu.memory_space<hbm>>
    %dma_start3A_261 = tpu.memref_squeeze %dma_start3A_260 : memref<1x200x64xf32, #tpu.memory_space<hbm>> -> memref<200x64xf32, #tpu.memory_space<hbm>>
    %dma_start3A_262 = arith.constant 0 : i32
    %dma_start3A_263 = arith.constant 0 : i32
    %dma_start3A_264 = tpu.memref_slice %arg6[%dma_start3A_246, %dma_start3A_262, %dma_start3A_263] : memref<8x200x64xf32, #tpu.memory_space<vmem>> -> memref<1x200x64xf32, #tpu.memory_space<vmem>>
    %dma_start3A_265 = tpu.memref_squeeze %dma_start3A_264 : memref<1x200x64xf32, #tpu.memory_space<vmem>> -> memref<200x64xf32, #tpu.memory_space<vmem>>
    tpu.enqueue_dma source(%dma_start3A_265 : memref<200x64xf32, #tpu.memory_space<vmem>>) target(%dma_start3A_261 : memref<200x64xf32, #tpu.memory_space<hbm>>) target_semaphore(%dma_start3A_257 : memref<!tpu.dma_semaphore, #tpu.memory_space<semaphore_mem>>)
    %dma_start3A_266 = arith.constant 7 : i32
    %dma_start3A_267 = arith.constant 7 : i32
    %dma_start3A_268 = arith.constant 7 : i32
    %dma_start3A_269 = arith.constant 0 : i32
    %dma_start3A_270 = arith.constant 0 : i32
    %dma_start3A_271 = tpu.memref_slice %arg6[%dma_start3A_267, %dma_start3A_269, %dma_start3A_270] : memref<8x200x64xf32, #tpu.memory_space<vmem>> -> memref<1x200x64xf32, #tpu.memory_space<vmem>>
    %dma_start3A_272 = tpu.memref_squeeze %dma_start3A_271 : memref<1x200x64xf32, #tpu.memory_space<vmem>> -> memref<200x64xf32, #tpu.memory_space<vmem>>
    %dma_start3A_273 = arith.constant 0 : i32
    %dma_start3A_274 = tpu.memref_slice %arg5[%dma_start3A_266, %dma_start3A_273] : memref<128x200xi32, #tpu.memory_space<vmem>> -> memref<1x200xi32, #tpu.memory_space<vmem>>
    %dma_start3A_275 = tpu.memref_squeeze %dma_start3A_274 : memref<1x200xi32, #tpu.memory_space<vmem>> -> memref<200xi32, #tpu.memory_space<vmem>>
    %dma_start3A_276 = arith.constant 0 : i32
    %dma_start3A_277 = arith.constant 0 : i32
    %dma_start3A_278 = tpu.memref_slice %arg3[%dma_start3A_276, %dma_start3A_277] : memref<1000000x64xf32, #tpu.memory_space<hbm>> -> memref<1000000x64xf32, #tpu.memory_space<hbm>>
    %dma_start3A_279 = tpu.memref_slice %arg7[%dma_start3A_268] : memref<8x!tpu.dma_semaphore, #tpu.memory_space<semaphore_mem>> -> memref<1x!tpu.dma_semaphore, #tpu.memory_space<semaphore_mem>>
    %dma_start3A_280 = tpu.memref_squeeze %dma_start3A_279 : memref<1x!tpu.dma_semaphore, #tpu.memory_space<semaphore_mem>> -> memref<!tpu.dma_semaphore, #tpu.memory_space<semaphore_mem>>
    tpu.enqueue_indirect_dma source(%dma_start3A_278 : memref<1000000x64xf32, #tpu.memory_space<hbm>>) target(%dma_start3A_272 : memref<200x64xf32, #tpu.memory_space<vmem>>) offsets(%dma_start3A_275 : memref<200xi32, #tpu.memory_space<vmem>>) semaphore(%dma_start3A_280 : memref<!tpu.dma_semaphore, #tpu.memory_space<semaphore_mem>>)
    %scan3A = arith.constant 0 : i32
    %scan3A_281 = arith.constant 0 : i32
    %scan3A_282 = arith.constant 15 : i32
    %scan3A_283 = arith.addi %scan3A_281, %scan3A_282 : i32
    %scan3A_284 = arith.constant 1 : i32
    scf.for %scan3A_590 = %scan3A_281 to %scan3A_283 step %scan3A_284  : i32 {
      %mul3A_591 = arith.constant 8 : i32
      %mul3A_592 = arith.muli %scan3A_590, %mul3A_591 : i32
      %add3A_593 = arith.constant 4 : i32
      %add3A_594 = arith.addi %mul3A_592, %add3A_593 : i32
      %add3A_595 = arith.constant 0 : i32
      %add3A_596 = arith.addi %add3A_594, %add3A_595 : i32
      %dma_wait3A_597 = arith.constant 4 : i32
      %dma_wait3A_598 = arith.constant 4 : i32
      %dma_wait3A_599 = arith.constant 0 : i32
      %dma_wait3A_600 = arith.constant 0 : i32
      %dma_wait3A_601 = tpu.memref_slice %arg6[%dma_wait3A_597, %dma_wait3A_599, %dma_wait3A_600] : memref<8x200x64xf32, #tpu.memory_space<vmem>> -> memref<1x200x64xf32, #tpu.memory_space<vmem>>
      %dma_wait3A_602 = tpu.memref_squeeze %dma_wait3A_601 : memref<1x200x64xf32, #tpu.memory_space<vmem>> -> memref<200x64xf32, #tpu.memory_space<vmem>>
      %dma_wait3A_603 = arith.constant 0 : i32
      %dma_wait3A_604 = arith.constant 0 : i32
      %dma_wait3A_605 = tpu.memref_slice %arg3[%dma_wait3A_603, %dma_wait3A_604] : memref<1000000x64xf32, #tpu.memory_space<hbm>> -> memref<200x64xf32, #tpu.memory_space<hbm>>
      %dma_wait3A_606 = tpu.memref_slice %arg7[%dma_wait3A_598] : memref<8x!tpu.dma_semaphore, #tpu.memory_space<semaphore_mem>> -> memref<1x!tpu.dma_semaphore, #tpu.memory_space<semaphore_mem>>
      %dma_wait3A_607 = tpu.memref_squeeze %dma_wait3A_606 : memref<1x!tpu.dma_semaphore, #tpu.memory_space<semaphore_mem>> -> memref<!tpu.dma_semaphore, #tpu.memory_space<semaphore_mem>>
      %dma_wait3A_608 = arith.constant 0 : i32
      %dma_wait3A_609 = arith.constant 0 : i32
      %dma_wait3A_610 = tpu.memref_slice %arg6[%dma_wait3A_597, %dma_wait3A_608, %dma_wait3A_609] : memref<8x200x64xf32, #tpu.memory_space<vmem>> -> memref<1x200x64xf32, #tpu.memory_space<vmem>>
      %dma_wait3A_611 = tpu.memref_squeeze %dma_wait3A_610 : memref<1x200x64xf32, #tpu.memory_space<vmem>> -> memref<200x64xf32, #tpu.memory_space<vmem>>
      %dma_wait3A_612 = arith.constant 0 : i32
      %dma_wait3A_613 = arith.constant 0 : i32
      %dma_wait3A_614 = tpu.memref_slice %arg3[%dma_wait3A_612, %dma_wait3A_613] : memref<1000000x64xf32, #tpu.memory_space<hbm>> -> memref<200x64xf32, #tpu.memory_space<hbm>>
      tpu.wait_dma2 semaphore(%dma_wait3A_607 : memref<!tpu.dma_semaphore, #tpu.memory_space<semaphore_mem>>) src(%dma_wait3A_614 : memref<200x64xf32, #tpu.memory_space<hbm>>) dst(%dma_wait3A_611 : memref<200x64xf32, #tpu.memory_space<vmem>>)
      %add3A_615 = arith.addi %mul3A_2, %add3A_596 : i32
      %dma_start3A_616 = arith.constant 4 : i32
      %dma_start3A_617 = arith.constant 4 : i32
      %dma_start3A_618 = arith.constant 0 : i32
      %dma_start3A_619 = arith.constant 0 : i32
      %dma_start3A_620 = tpu.memref_slice %arg6[%dma_start3A_616, %dma_start3A_618, %dma_start3A_619] : memref<8x200x64xf32, #tpu.memory_space<vmem>> -> memref<1x200x64xf32, #tpu.memory_space<vmem>>
      %dma_start3A_621 = tpu.memref_squeeze %dma_start3A_620 : memref<1x200x64xf32, #tpu.memory_space<vmem>> -> memref<200x64xf32, #tpu.memory_space<vmem>>
      %dma_start3A_622 = arith.constant 0 : i32
      %dma_start3A_623 = arith.constant 0 : i32
      %dma_start3A_624 = tpu.memref_slice %arg4[%add3A_615, %dma_start3A_622, %dma_start3A_623] : memref<4096x200x64xf32, #tpu.memory_space<hbm>> -> memref<1x200x64xf32, #tpu.memory_space<hbm>>
      %dma_start3A_625 = tpu.memref_squeeze %dma_start3A_624 : memref<1x200x64xf32, #tpu.memory_space<hbm>> -> memref<200x64xf32, #tpu.memory_space<hbm>>
      %dma_start3A_626 = tpu.memref_slice %arg8[%dma_start3A_617] : memref<8x!tpu.dma_semaphore, #tpu.memory_space<semaphore_mem>> -> memref<1x!tpu.dma_semaphore, #tpu.memory_space<semaphore_mem>>
      %dma_start3A_627 = tpu.memref_squeeze %dma_start3A_626 : memref<1x!tpu.dma_semaphore, #tpu.memory_space<semaphore_mem>> -> memref<!tpu.dma_semaphore, #tpu.memory_space<semaphore_mem>>
      %dma_start3A_628 = arith.constant 0 : i32
      %dma_start3A_629 = arith.constant 0 : i32
      %dma_start3A_630 = tpu.memref_slice %arg4[%add3A_615, %dma_start3A_628, %dma_start3A_629] : memref<4096x200x64xf32, #tpu.memory_space<hbm>> -> memref<1x200x64xf32, #tpu.memory_space<hbm>>
      %dma_start3A_631 = tpu.memref_squeeze %dma_start3A_630 : memref<1x200x64xf32, #tpu.memory_space<hbm>> -> memref<200x64xf32, #tpu.memory_space<hbm>>
      %dma_start3A_632 = arith.constant 0 : i32
      %dma_start3A_633 = arith.constant 0 : i32
      %dma_start3A_634 = tpu.memref_slice %arg6[%dma_start3A_616, %dma_start3A_632, %dma_start3A_633] : memref<8x200x64xf32, #tpu.memory_space<vmem>> -> memref<1x200x64xf32, #tpu.memory_space<vmem>>
      %dma_start3A_635 = tpu.memref_squeeze %dma_start3A_634 : memref<1x200x64xf32, #tpu.memory_space<vmem>> -> memref<200x64xf32, #tpu.memory_space<vmem>>
      tpu.enqueue_dma source(%dma_start3A_635 : memref<200x64xf32, #tpu.memory_space<vmem>>) target(%dma_start3A_631 : memref<200x64xf32, #tpu.memory_space<hbm>>) target_semaphore(%dma_start3A_627 : memref<!tpu.dma_semaphore, #tpu.memory_space<semaphore_mem>>)
      %dma_wait3A_636 = arith.constant 0 : i32
      %dma_wait3A_637 = arith.constant 0 : i32
      %dma_wait3A_638 = arith.constant 0 : i32
      %dma_wait3A_639 = arith.constant 0 : i32
      %dma_wait3A_640 = tpu.memref_slice %arg6[%dma_wait3A_636, %dma_wait3A_638, %dma_wait3A_639] : memref<8x200x64xf32, #tpu.memory_space<vmem>> -> memref<1x200x64xf32, #tpu.memory_space<vmem>>
      %dma_wait3A_641 = tpu.memref_squeeze %dma_wait3A_640 : memref<1x200x64xf32, #tpu.memory_space<vmem>> -> memref<200x64xf32, #tpu.memory_space<vmem>>
      %dma_wait3A_642 = arith.constant 0 : i32
      %dma_wait3A_643 = arith.constant 0 : i32
      %dma_wait3A_644 = tpu.memref_slice %arg3[%dma_wait3A_642, %dma_wait3A_643] : memref<1000000x64xf32, #tpu.memory_space<hbm>> -> memref<200x64xf32, #tpu.memory_space<hbm>>
      %dma_wait3A_645 = tpu.memref_slice %arg8[%dma_wait3A_637] : memref<8x!tpu.dma_semaphore, #tpu.memory_space<semaphore_mem>> -> memref<1x!tpu.dma_semaphore, #tpu.memory_space<semaphore_mem>>
      %dma_wait3A_646 = tpu.memref_squeeze %dma_wait3A_645 : memref<1x!tpu.dma_semaphore, #tpu.memory_space<semaphore_mem>> -> memref<!tpu.dma_semaphore, #tpu.memory_space<semaphore_mem>>
      %dma_wait3A_647 = arith.constant 0 : i32
      %dma_wait3A_648 = arith.constant 0 : i32
      %dma_wait3A_649 = tpu.memref_slice %arg6[%dma_wait3A_636, %dma_wait3A_647, %dma_wait3A_648] : memref<8x200x64xf32, #tpu.memory_space<vmem>> -> memref<1x200x64xf32, #tpu.memory_space<vmem>>
      %dma_wait3A_650 = tpu.memref_squeeze %dma_wait3A_649 : memref<1x200x64xf32, #tpu.memory_space<vmem>> -> memref<200x64xf32, #tpu.memory_space<vmem>>
      %dma_wait3A_651 = arith.constant 0 : i32
      %dma_wait3A_652 = arith.constant 0 : i32
      %dma_wait3A_653 = tpu.memref_slice %arg3[%dma_wait3A_651, %dma_wait3A_652] : memref<1000000x64xf32, #tpu.memory_space<hbm>> -> memref<200x64xf32, #tpu.memory_space<hbm>>
      tpu.wait_dma2 semaphore(%dma_wait3A_646 : memref<!tpu.dma_semaphore, #tpu.memory_space<semaphore_mem>>) src(%dma_wait3A_653 : memref<200x64xf32, #tpu.memory_space<hbm>>) dst(%dma_wait3A_650 : memref<200x64xf32, #tpu.memory_space<vmem>>)
      %add3A_654 = arith.constant 4 : i32
      %add3A_655 = arith.addi %add3A_596, %add3A_654 : i32
      %dma_start3A_656 = arith.constant 0 : i32
      %dma_start3A_657 = arith.constant 0 : i32
      %dma_start3A_658 = arith.constant 0 : i32
      %dma_start3A_659 = arith.constant 0 : i32
      %dma_start3A_660 = tpu.memref_slice %arg6[%dma_start3A_656, %dma_start3A_658, %dma_start3A_659] : memref<8x200x64xf32, #tpu.memory_space<vmem>> -> memref<1x200x64xf32, #tpu.memory_space<vmem>>
      %dma_start3A_661 = tpu.memref_squeeze %dma_start3A_660 : memref<1x200x64xf32, #tpu.memory_space<vmem>> -> memref<200x64xf32, #tpu.memory_space<vmem>>
      %dma_start3A_662 = arith.constant 0 : i32
      %dma_start3A_663 = tpu.memref_slice %arg5[%add3A_655, %dma_start3A_662] : memref<128x200xi32, #tpu.memory_space<vmem>> -> memref<1x200xi32, #tpu.memory_space<vmem>>
      %dma_start3A_664 = tpu.memref_squeeze %dma_start3A_663 : memref<1x200xi32, #tpu.memory_space<vmem>> -> memref<200xi32, #tpu.memory_space<vmem>>
      %dma_start3A_665 = arith.constant 0 : i32
      %dma_start3A_666 = arith.constant 0 : i32
      %dma_start3A_667 = tpu.memref_slice %arg3[%dma_start3A_665, %dma_start3A_666] : memref<1000000x64xf32, #tpu.memory_space<hbm>> -> memref<1000000x64xf32, #tpu.memory_space<hbm>>
      %dma_start3A_668 = tpu.memref_slice %arg7[%dma_start3A_657] : memref<8x!tpu.dma_semaphore, #tpu.memory_space<semaphore_mem>> -> memref<1x!tpu.dma_semaphore, #tpu.memory_space<semaphore_mem>>
      %dma_start3A_669 = tpu.memref_squeeze %dma_start3A_668 : memref<1x!tpu.dma_semaphore, #tpu.memory_space<semaphore_mem>> -> memref<!tpu.dma_semaphore, #tpu.memory_space<semaphore_mem>>
      tpu.enqueue_indirect_dma source(%dma_start3A_667 : memref<1000000x64xf32, #tpu.memory_space<hbm>>) target(%dma_start3A_661 : memref<200x64xf32, #tpu.memory_space<vmem>>) offsets(%dma_start3A_664 : memref<200xi32, #tpu.memory_space<vmem>>) semaphore(%dma_start3A_669 : memref<!tpu.dma_semaphore, #tpu.memory_space<semaphore_mem>>)
      %mul3A_670 = arith.constant 8 : i32
      %mul3A_671 = arith.muli %scan3A_590, %mul3A_670 : i32
      %add3A_672 = arith.constant 4 : i32
      %add3A_673 = arith.addi %mul3A_671, %add3A_672 : i32
      %add3A_674 = arith.constant 1 : i32
      %add3A_675 = arith.addi %add3A_673, %add3A_674 : i32
      %dma_wait3A_676 = arith.constant 5 : i32
      %dma_wait3A_677 = arith.constant 5 : i32
      %dma_wait3A_678 = arith.constant 0 : i32
      %dma_wait3A_679 = arith.constant 0 : i32
      %dma_wait3A_680 = tpu.memref_slice %arg6[%dma_wait3A_676, %dma_wait3A_678, %dma_wait3A_679] : memref<8x200x64xf32, #tpu.memory_space<vmem>> -> memref<1x200x64xf32, #tpu.memory_space<vmem>>
      %dma_wait3A_681 = tpu.memref_squeeze %dma_wait3A_680 : memref<1x200x64xf32, #tpu.memory_space<vmem>> -> memref<200x64xf32, #tpu.memory_space<vmem>>
      %dma_wait3A_682 = arith.constant 0 : i32
      %dma_wait3A_683 = arith.constant 0 : i32
      %dma_wait3A_684 = tpu.memref_slice %arg3[%dma_wait3A_682, %dma_wait3A_683] : memref<1000000x64xf32, #tpu.memory_space<hbm>> -> memref<200x64xf32, #tpu.memory_space<hbm>>
      %dma_wait3A_685 = tpu.memref_slice %arg7[%dma_wait3A_677] : memref<8x!tpu.dma_semaphore, #tpu.memory_space<semaphore_mem>> -> memref<1x!tpu.dma_semaphore, #tpu.memory_space<semaphore_mem>>
      %dma_wait3A_686 = tpu.memref_squeeze %dma_wait3A_685 : memref<1x!tpu.dma_semaphore, #tpu.memory_space<semaphore_mem>> -> memref<!tpu.dma_semaphore, #tpu.memory_space<semaphore_mem>>
      %dma_wait3A_687 = arith.constant 0 : i32
      %dma_wait3A_688 = arith.constant 0 : i32
      %dma_wait3A_689 = tpu.memref_slice %arg6[%dma_wait3A_676, %dma_wait3A_687, %dma_wait3A_688] : memref<8x200x64xf32, #tpu.memory_space<vmem>> -> memref<1x200x64xf32, #tpu.memory_space<vmem>>
      %dma_wait3A_690 = tpu.memref_squeeze %dma_wait3A_689 : memref<1x200x64xf32, #tpu.memory_space<vmem>> -> memref<200x64xf32, #tpu.memory_space<vmem>>
      %dma_wait3A_691 = arith.constant 0 : i32
      %dma_wait3A_692 = arith.constant 0 : i32
      %dma_wait3A_693 = tpu.memref_slice %arg3[%dma_wait3A_691, %dma_wait3A_692] : memref<1000000x64xf32, #tpu.memory_space<hbm>> -> memref<200x64xf32, #tpu.memory_space<hbm>>
      tpu.wait_dma2 semaphore(%dma_wait3A_686 : memref<!tpu.dma_semaphore, #tpu.memory_space<semaphore_mem>>) src(%dma_wait3A_693 : memref<200x64xf32, #tpu.memory_space<hbm>>) dst(%dma_wait3A_690 : memref<200x64xf32, #tpu.memory_space<vmem>>)
      %add3A_694 = arith.addi %mul3A_2, %add3A_675 : i32
      %dma_start3A_695 = arith.constant 5 : i32
      %dma_start3A_696 = arith.constant 5 : i32
      %dma_start3A_697 = arith.constant 0 : i32
      %dma_start3A_698 = arith.constant 0 : i32
      %dma_start3A_699 = tpu.memref_slice %arg6[%dma_start3A_695, %dma_start3A_697, %dma_start3A_698] : memref<8x200x64xf32, #tpu.memory_space<vmem>> -> memref<1x200x64xf32, #tpu.memory_space<vmem>>
      %dma_start3A_700 = tpu.memref_squeeze %dma_start3A_699 : memref<1x200x64xf32, #tpu.memory_space<vmem>> -> memref<200x64xf32, #tpu.memory_space<vmem>>
      %dma_start3A_701 = arith.constant 0 : i32
      %dma_start3A_702 = arith.constant 0 : i32
      %dma_start3A_703 = tpu.memref_slice %arg4[%add3A_694, %dma_start3A_701, %dma_start3A_702] : memref<4096x200x64xf32, #tpu.memory_space<hbm>> -> memref<1x200x64xf32, #tpu.memory_space<hbm>>
      %dma_start3A_704 = tpu.memref_squeeze %dma_start3A_703 : memref<1x200x64xf32, #tpu.memory_space<hbm>> -> memref<200x64xf32, #tpu.memory_space<hbm>>
      %dma_start3A_705 = tpu.memref_slice %arg8[%dma_start3A_696] : memref<8x!tpu.dma_semaphore, #tpu.memory_space<semaphore_mem>> -> memref<1x!tpu.dma_semaphore, #tpu.memory_space<semaphore_mem>>
      %dma_start3A_706 = tpu.memref_squeeze %dma_start3A_705 : memref<1x!tpu.dma_semaphore, #tpu.memory_space<semaphore_mem>> -> memref<!tpu.dma_semaphore, #tpu.memory_space<semaphore_mem>>
      %dma_start3A_707 = arith.constant 0 : i32
      %dma_start3A_708 = arith.constant 0 : i32
      %dma_start3A_709 = tpu.memref_slice %arg4[%add3A_694, %dma_start3A_707, %dma_start3A_708] : memref<4096x200x64xf32, #tpu.memory_space<hbm>> -> memref<1x200x64xf32, #tpu.memory_space<hbm>>
      %dma_start3A_710 = tpu.memref_squeeze %dma_start3A_709 : memref<1x200x64xf32, #tpu.memory_space<hbm>> -> memref<200x64xf32, #tpu.memory_space<hbm>>
      %dma_start3A_711 = arith.constant 0 : i32
      %dma_start3A_712 = arith.constant 0 : i32
      %dma_start3A_713 = tpu.memref_slice %arg6[%dma_start3A_695, %dma_start3A_711, %dma_start3A_712] : memref<8x200x64xf32, #tpu.memory_space<vmem>> -> memref<1x200x64xf32, #tpu.memory_space<vmem>>
      %dma_start3A_714 = tpu.memref_squeeze %dma_start3A_713 : memref<1x200x64xf32, #tpu.memory_space<vmem>> -> memref<200x64xf32, #tpu.memory_space<vmem>>
      tpu.enqueue_dma source(%dma_start3A_714 : memref<200x64xf32, #tpu.memory_space<vmem>>) target(%dma_start3A_710 : memref<200x64xf32, #tpu.memory_space<hbm>>) target_semaphore(%dma_start3A_706 : memref<!tpu.dma_semaphore, #tpu.memory_space<semaphore_mem>>)
      %dma_wait3A_715 = arith.constant 1 : i32
      %dma_wait3A_716 = arith.constant 1 : i32
      %dma_wait3A_717 = arith.constant 0 : i32
      %dma_wait3A_718 = arith.constant 0 : i32
      %dma_wait3A_719 = tpu.memref_slice %arg6[%dma_wait3A_715, %dma_wait3A_717, %dma_wait3A_718] : memref<8x200x64xf32, #tpu.memory_space<vmem>> -> memref<1x200x64xf32, #tpu.memory_space<vmem>>
      %dma_wait3A_720 = tpu.memref_squeeze %dma_wait3A_719 : memref<1x200x64xf32, #tpu.memory_space<vmem>> -> memref<200x64xf32, #tpu.memory_space<vmem>>
      %dma_wait3A_721 = arith.constant 0 : i32
      %dma_wait3A_722 = arith.constant 0 : i32
      %dma_wait3A_723 = tpu.memref_slice %arg3[%dma_wait3A_721, %dma_wait3A_722] : memref<1000000x64xf32, #tpu.memory_space<hbm>> -> memref<200x64xf32, #tpu.memory_space<hbm>>
      %dma_wait3A_724 = tpu.memref_slice %arg8[%dma_wait3A_716] : memref<8x!tpu.dma_semaphore, #tpu.memory_space<semaphore_mem>> -> memref<1x!tpu.dma_semaphore, #tpu.memory_space<semaphore_mem>>
      %dma_wait3A_725 = tpu.memref_squeeze %dma_wait3A_724 : memref<1x!tpu.dma_semaphore, #tpu.memory_space<semaphore_mem>> -> memref<!tpu.dma_semaphore, #tpu.memory_space<semaphore_mem>>
      %dma_wait3A_726 = arith.constant 0 : i32
      %dma_wait3A_727 = arith.constant 0 : i32
      %dma_wait3A_728 = tpu.memref_slice %arg6[%dma_wait3A_715, %dma_wait3A_726, %dma_wait3A_727] : memref<8x200x64xf32, #tpu.memory_space<vmem>> -> memref<1x200x64xf32, #tpu.memory_space<vmem>>
      %dma_wait3A_729 = tpu.memref_squeeze %dma_wait3A_728 : memref<1x200x64xf32, #tpu.memory_space<vmem>> -> memref<200x64xf32, #tpu.memory_space<vmem>>
      %dma_wait3A_730 = arith.constant 0 : i32
      %dma_wait3A_731 = arith.constant 0 : i32
      %dma_wait3A_732 = tpu.memref_slice %arg3[%dma_wait3A_730, %dma_wait3A_731] : memref<1000000x64xf32, #tpu.memory_space<hbm>> -> memref<200x64xf32, #tpu.memory_space<hbm>>
      tpu.wait_dma2 semaphore(%dma_wait3A_725 : memref<!tpu.dma_semaphore, #tpu.memory_space<semaphore_mem>>) src(%dma_wait3A_732 : memref<200x64xf32, #tpu.memory_space<hbm>>) dst(%dma_wait3A_729 : memref<200x64xf32, #tpu.memory_space<vmem>>)
      %add3A_733 = arith.constant 4 : i32
      %add3A_734 = arith.addi %add3A_675, %add3A_733 : i32
      %dma_start3A_735 = arith.constant 1 : i32
      %dma_start3A_736 = arith.constant 1 : i32
      %dma_start3A_737 = arith.constant 0 : i32
      %dma_start3A_738 = arith.constant 0 : i32
      %dma_start3A_739 = tpu.memref_slice %arg6[%dma_start3A_735, %dma_start3A_737, %dma_start3A_738] : memref<8x200x64xf32, #tpu.memory_space<vmem>> -> memref<1x200x64xf32, #tpu.memory_space<vmem>>
      %dma_start3A_740 = tpu.memref_squeeze %dma_start3A_739 : memref<1x200x64xf32, #tpu.memory_space<vmem>> -> memref<200x64xf32, #tpu.memory_space<vmem>>
      %dma_start3A_741 = arith.constant 0 : i32
      %dma_start3A_742 = tpu.memref_slice %arg5[%add3A_734, %dma_start3A_741] : memref<128x200xi32, #tpu.memory_space<vmem>> -> memref<1x200xi32, #tpu.memory_space<vmem>>
      %dma_start3A_743 = tpu.memref_squeeze %dma_start3A_742 : memref<1x200xi32, #tpu.memory_space<vmem>> -> memref<200xi32, #tpu.memory_space<vmem>>
      %dma_start3A_744 = arith.constant 0 : i32
      %dma_start3A_745 = arith.constant 0 : i32
      %dma_start3A_746 = tpu.memref_slice %arg3[%dma_start3A_744, %dma_start3A_745] : memref<1000000x64xf32, #tpu.memory_space<hbm>> -> memref<1000000x64xf32, #tpu.memory_space<hbm>>
      %dma_start3A_747 = tpu.memref_slice %arg7[%dma_start3A_736] : memref<8x!tpu.dma_semaphore, #tpu.memory_space<semaphore_mem>> -> memref<1x!tpu.dma_semaphore, #tpu.memory_space<semaphore_mem>>
      %dma_start3A_748 = tpu.memref_squeeze %dma_start3A_747 : memref<1x!tpu.dma_semaphore, #tpu.memory_space<semaphore_mem>> -> memref<!tpu.dma_semaphore, #tpu.memory_space<semaphore_mem>>
      tpu.enqueue_indirect_dma source(%dma_start3A_746 : memref<1000000x64xf32, #tpu.memory_space<hbm>>) target(%dma_start3A_740 : memref<200x64xf32, #tpu.memory_space<vmem>>) offsets(%dma_start3A_743 : memref<200xi32, #tpu.memory_space<vmem>>) semaphore(%dma_start3A_748 : memref<!tpu.dma_semaphore, #tpu.memory_space<semaphore_mem>>)
      %mul3A_749 = arith.constant 8 : i32
      %mul3A_750 = arith.muli %scan3A_590, %mul3A_749 : i32
      %add3A_751 = arith.constant 4 : i32
      %add3A_752 = arith.addi %mul3A_750, %add3A_751 : i32
      %add3A_753 = arith.constant 2 : i32
      %add3A_754 = arith.addi %add3A_752, %add3A_753 : i32
      %dma_wait3A_755 = arith.constant 6 : i32
      %dma_wait3A_756 = arith.constant 6 : i32
      %dma_wait3A_757 = arith.constant 0 : i32
      %dma_wait3A_758 = arith.constant 0 : i32
      %dma_wait3A_759 = tpu.memref_slice %arg6[%dma_wait3A_755, %dma_wait3A_757, %dma_wait3A_758] : memref<8x200x64xf32, #tpu.memory_space<vmem>> -> memref<1x200x64xf32, #tpu.memory_space<vmem>>
      %dma_wait3A_760 = tpu.memref_squeeze %dma_wait3A_759 : memref<1x200x64xf32, #tpu.memory_space<vmem>> -> memref<200x64xf32, #tpu.memory_space<vmem>>
      %dma_wait3A_761 = arith.constant 0 : i32
      %dma_wait3A_762 = arith.constant 0 : i32
      %dma_wait3A_763 = tpu.memref_slice %arg3[%dma_wait3A_761, %dma_wait3A_762] : memref<1000000x64xf32, #tpu.memory_space<hbm>> -> memref<200x64xf32, #tpu.memory_space<hbm>>
      %dma_wait3A_764 = tpu.memref_slice %arg7[%dma_wait3A_756] : memref<8x!tpu.dma_semaphore, #tpu.memory_space<semaphore_mem>> -> memref<1x!tpu.dma_semaphore, #tpu.memory_space<semaphore_mem>>
      %dma_wait3A_765 = tpu.memref_squeeze %dma_wait3A_764 : memref<1x!tpu.dma_semaphore, #tpu.memory_space<semaphore_mem>> -> memref<!tpu.dma_semaphore, #tpu.memory_space<semaphore_mem>>
      %dma_wait3A_766 = arith.constant 0 : i32
      %dma_wait3A_767 = arith.constant 0 : i32
      %dma_wait3A_768 = tpu.memref_slice %arg6[%dma_wait3A_755, %dma_wait3A_766, %dma_wait3A_767] : memref<8x200x64xf32, #tpu.memory_space<vmem>> -> memref<1x200x64xf32, #tpu.memory_space<vmem>>
      %dma_wait3A_769 = tpu.memref_squeeze %dma_wait3A_768 : memref<1x200x64xf32, #tpu.memory_space<vmem>> -> memref<200x64xf32, #tpu.memory_space<vmem>>
      %dma_wait3A_770 = arith.constant 0 : i32
      %dma_wait3A_771 = arith.constant 0 : i32
      %dma_wait3A_772 = tpu.memref_slice %arg3[%dma_wait3A_770, %dma_wait3A_771] : memref<1000000x64xf32, #tpu.memory_space<hbm>> -> memref<200x64xf32, #tpu.memory_space<hbm>>
      tpu.wait_dma2 semaphore(%dma_wait3A_765 : memref<!tpu.dma_semaphore, #tpu.memory_space<semaphore_mem>>) src(%dma_wait3A_772 : memref<200x64xf32, #tpu.memory_space<hbm>>) dst(%dma_wait3A_769 : memref<200x64xf32, #tpu.memory_space<vmem>>)
      %add3A_773 = arith.addi %mul3A_2, %add3A_754 : i32
      %dma_start3A_774 = arith.constant 6 : i32
      %dma_start3A_775 = arith.constant 6 : i32
      %dma_start3A_776 = arith.constant 0 : i32
      %dma_start3A_777 = arith.constant 0 : i32
      %dma_start3A_778 = tpu.memref_slice %arg6[%dma_start3A_774, %dma_start3A_776, %dma_start3A_777] : memref<8x200x64xf32, #tpu.memory_space<vmem>> -> memref<1x200x64xf32, #tpu.memory_space<vmem>>
      %dma_start3A_779 = tpu.memref_squeeze %dma_start3A_778 : memref<1x200x64xf32, #tpu.memory_space<vmem>> -> memref<200x64xf32, #tpu.memory_space<vmem>>
      %dma_start3A_780 = arith.constant 0 : i32
      %dma_start3A_781 = arith.constant 0 : i32
      %dma_start3A_782 = tpu.memref_slice %arg4[%add3A_773, %dma_start3A_780, %dma_start3A_781] : memref<4096x200x64xf32, #tpu.memory_space<hbm>> -> memref<1x200x64xf32, #tpu.memory_space<hbm>>
      %dma_start3A_783 = tpu.memref_squeeze %dma_start3A_782 : memref<1x200x64xf32, #tpu.memory_space<hbm>> -> memref<200x64xf32, #tpu.memory_space<hbm>>
      %dma_start3A_784 = tpu.memref_slice %arg8[%dma_start3A_775] : memref<8x!tpu.dma_semaphore, #tpu.memory_space<semaphore_mem>> -> memref<1x!tpu.dma_semaphore, #tpu.memory_space<semaphore_mem>>
      %dma_start3A_785 = tpu.memref_squeeze %dma_start3A_784 : memref<1x!tpu.dma_semaphore, #tpu.memory_space<semaphore_mem>> -> memref<!tpu.dma_semaphore, #tpu.memory_space<semaphore_mem>>
      %dma_start3A_786 = arith.constant 0 : i32
      %dma_start3A_787 = arith.constant 0 : i32
      %dma_start3A_788 = tpu.memref_slice %arg4[%add3A_773, %dma_start3A_786, %dma_start3A_787] : memref<4096x200x64xf32, #tpu.memory_space<hbm>> -> memref<1x200x64xf32, #tpu.memory_space<hbm>>
      %dma_start3A_789 = tpu.memref_squeeze %dma_start3A_788 : memref<1x200x64xf32, #tpu.memory_space<hbm>> -> memref<200x64xf32, #tpu.memory_space<hbm>>
      %dma_start3A_790 = arith.constant 0 : i32
      %dma_start3A_791 = arith.constant 0 : i32
      %dma_start3A_792 = tpu.memref_slice %arg6[%dma_start3A_774, %dma_start3A_790, %dma_start3A_791] : memref<8x200x64xf32, #tpu.memory_space<vmem>> -> memref<1x200x64xf32, #tpu.memory_space<vmem>>
      %dma_start3A_793 = tpu.memref_squeeze %dma_start3A_792 : memref<1x200x64xf32, #tpu.memory_space<vmem>> -> memref<200x64xf32, #tpu.memory_space<vmem>>
      tpu.enqueue_dma source(%dma_start3A_793 : memref<200x64xf32, #tpu.memory_space<vmem>>) target(%dma_start3A_789 : memref<200x64xf32, #tpu.memory_space<hbm>>) target_semaphore(%dma_start3A_785 : memref<!tpu.dma_semaphore, #tpu.memory_space<semaphore_mem>>)
      %dma_wait3A_794 = arith.constant 2 : i32
      %dma_wait3A_795 = arith.constant 2 : i32
      %dma_wait3A_796 = arith.constant 0 : i32
      %dma_wait3A_797 = arith.constant 0 : i32
      %dma_wait3A_798 = tpu.memref_slice %arg6[%dma_wait3A_794, %dma_wait3A_796, %dma_wait3A_797] : memref<8x200x64xf32, #tpu.memory_space<vmem>> -> memref<1x200x64xf32, #tpu.memory_space<vmem>>
      %dma_wait3A_799 = tpu.memref_squeeze %dma_wait3A_798 : memref<1x200x64xf32, #tpu.memory_space<vmem>> -> memref<200x64xf32, #tpu.memory_space<vmem>>
      %dma_wait3A_800 = arith.constant 0 : i32
      %dma_wait3A_801 = arith.constant 0 : i32
      %dma_wait3A_802 = tpu.memref_slice %arg3[%dma_wait3A_800, %dma_wait3A_801] : memref<1000000x64xf32, #tpu.memory_space<hbm>> -> memref<200x64xf32, #tpu.memory_space<hbm>>
      %dma_wait3A_803 = tpu.memref_slice %arg8[%dma_wait3A_795] : memref<8x!tpu.dma_semaphore, #tpu.memory_space<semaphore_mem>> -> memref<1x!tpu.dma_semaphore, #tpu.memory_space<semaphore_mem>>
      %dma_wait3A_804 = tpu.memref_squeeze %dma_wait3A_803 : memref<1x!tpu.dma_semaphore, #tpu.memory_space<semaphore_mem>> -> memref<!tpu.dma_semaphore, #tpu.memory_space<semaphore_mem>>
      %dma_wait3A_805 = arith.constant 0 : i32
      %dma_wait3A_806 = arith.constant 0 : i32
      %dma_wait3A_807 = tpu.memref_slice %arg6[%dma_wait3A_794, %dma_wait3A_805, %dma_wait3A_806] : memref<8x200x64xf32, #tpu.memory_space<vmem>> -> memref<1x200x64xf32, #tpu.memory_space<vmem>>
      %dma_wait3A_808 = tpu.memref_squeeze %dma_wait3A_807 : memref<1x200x64xf32, #tpu.memory_space<vmem>> -> memref<200x64xf32, #tpu.memory_space<vmem>>
      %dma_wait3A_809 = arith.constant 0 : i32
      %dma_wait3A_810 = arith.constant 0 : i32
      %dma_wait3A_811 = tpu.memref_slice %arg3[%dma_wait3A_809, %dma_wait3A_810] : memref<1000000x64xf32, #tpu.memory_space<hbm>> -> memref<200x64xf32, #tpu.memory_space<hbm>>
      tpu.wait_dma2 semaphore(%dma_wait3A_804 : memref<!tpu.dma_semaphore, #tpu.memory_space<semaphore_mem>>) src(%dma_wait3A_811 : memref<200x64xf32, #tpu.memory_space<hbm>>) dst(%dma_wait3A_808 : memref<200x64xf32, #tpu.memory_space<vmem>>)
      %add3A_812 = arith.constant 4 : i32
      %add3A_813 = arith.addi %add3A_754, %add3A_812 : i32
      %dma_start3A_814 = arith.constant 2 : i32
      %dma_start3A_815 = arith.constant 2 : i32
      %dma_start3A_816 = arith.constant 0 : i32
      %dma_start3A_817 = arith.constant 0 : i32
      %dma_start3A_818 = tpu.memref_slice %arg6[%dma_start3A_814, %dma_start3A_816, %dma_start3A_817] : memref<8x200x64xf32, #tpu.memory_space<vmem>> -> memref<1x200x64xf32, #tpu.memory_space<vmem>>
      %dma_start3A_819 = tpu.memref_squeeze %dma_start3A_818 : memref<1x200x64xf32, #tpu.memory_space<vmem>> -> memref<200x64xf32, #tpu.memory_space<vmem>>
      %dma_start3A_820 = arith.constant 0 : i32
      %dma_start3A_821 = tpu.memref_slice %arg5[%add3A_813, %dma_start3A_820] : memref<128x200xi32, #tpu.memory_space<vmem>> -> memref<1x200xi32, #tpu.memory_space<vmem>>
      %dma_start3A_822 = tpu.memref_squeeze %dma_start3A_821 : memref<1x200xi32, #tpu.memory_space<vmem>> -> memref<200xi32, #tpu.memory_space<vmem>>
      %dma_start3A_823 = arith.constant 0 : i32
      %dma_start3A_824 = arith.constant 0 : i32
      %dma_start3A_825 = tpu.memref_slice %arg3[%dma_start3A_823, %dma_start3A_824] : memref<1000000x64xf32, #tpu.memory_space<hbm>> -> memref<1000000x64xf32, #tpu.memory_space<hbm>>
      %dma_start3A_826 = tpu.memref_slice %arg7[%dma_start3A_815] : memref<8x!tpu.dma_semaphore, #tpu.memory_space<semaphore_mem>> -> memref<1x!tpu.dma_semaphore, #tpu.memory_space<semaphore_mem>>
      %dma_start3A_827 = tpu.memref_squeeze %dma_start3A_826 : memref<1x!tpu.dma_semaphore, #tpu.memory_space<semaphore_mem>> -> memref<!tpu.dma_semaphore, #tpu.memory_space<semaphore_mem>>
      tpu.enqueue_indirect_dma source(%dma_start3A_825 : memref<1000000x64xf32, #tpu.memory_space<hbm>>) target(%dma_start3A_819 : memref<200x64xf32, #tpu.memory_space<vmem>>) offsets(%dma_start3A_822 : memref<200xi32, #tpu.memory_space<vmem>>) semaphore(%dma_start3A_827 : memref<!tpu.dma_semaphore, #tpu.memory_space<semaphore_mem>>)
      %mul3A_828 = arith.constant 8 : i32
      %mul3A_829 = arith.muli %scan3A_590, %mul3A_828 : i32
      %add3A_830 = arith.constant 4 : i32
      %add3A_831 = arith.addi %mul3A_829, %add3A_830 : i32
      %add3A_832 = arith.constant 3 : i32
      %add3A_833 = arith.addi %add3A_831, %add3A_832 : i32
      %dma_wait3A_834 = arith.constant 7 : i32
      %dma_wait3A_835 = arith.constant 7 : i32
      %dma_wait3A_836 = arith.constant 0 : i32
      %dma_wait3A_837 = arith.constant 0 : i32
      %dma_wait3A_838 = tpu.memref_slice %arg6[%dma_wait3A_834, %dma_wait3A_836, %dma_wait3A_837] : memref<8x200x64xf32, #tpu.memory_space<vmem>> -> memref<1x200x64xf32, #tpu.memory_space<vmem>>
      %dma_wait3A_839 = tpu.memref_squeeze %dma_wait3A_838 : memref<1x200x64xf32, #tpu.memory_space<vmem>> -> memref<200x64xf32, #tpu.memory_space<vmem>>
      %dma_wait3A_840 = arith.constant 0 : i32
      %dma_wait3A_841 = arith.constant 0 : i32
      %dma_wait3A_842 = tpu.memref_slice %arg3[%dma_wait3A_840, %dma_wait3A_841] : memref<1000000x64xf32, #tpu.memory_space<hbm>> -> memref<200x64xf32, #tpu.memory_space<hbm>>
      %dma_wait3A_843 = tpu.memref_slice %arg7[%dma_wait3A_835] : memref<8x!tpu.dma_semaphore, #tpu.memory_space<semaphore_mem>> -> memref<1x!tpu.dma_semaphore, #tpu.memory_space<semaphore_mem>>
      %dma_wait3A_844 = tpu.memref_squeeze %dma_wait3A_843 : memref<1x!tpu.dma_semaphore, #tpu.memory_space<semaphore_mem>> -> memref<!tpu.dma_semaphore, #tpu.memory_space<semaphore_mem>>
      %dma_wait3A_845 = arith.constant 0 : i32
      %dma_wait3A_846 = arith.constant 0 : i32
      %dma_wait3A_847 = tpu.memref_slice %arg6[%dma_wait3A_834, %dma_wait3A_845, %dma_wait3A_846] : memref<8x200x64xf32, #tpu.memory_space<vmem>> -> memref<1x200x64xf32, #tpu.memory_space<vmem>>
      %dma_wait3A_848 = tpu.memref_squeeze %dma_wait3A_847 : memref<1x200x64xf32, #tpu.memory_space<vmem>> -> memref<200x64xf32, #tpu.memory_space<vmem>>
      %dma_wait3A_849 = arith.constant 0 : i32
      %dma_wait3A_850 = arith.constant 0 : i32
      %dma_wait3A_851 = tpu.memref_slice %arg3[%dma_wait3A_849, %dma_wait3A_850] : memref<1000000x64xf32, #tpu.memory_space<hbm>> -> memref<200x64xf32, #tpu.memory_space<hbm>>
      tpu.wait_dma2 semaphore(%dma_wait3A_844 : memref<!tpu.dma_semaphore, #tpu.memory_space<semaphore_mem>>) src(%dma_wait3A_851 : memref<200x64xf32, #tpu.memory_space<hbm>>) dst(%dma_wait3A_848 : memref<200x64xf32, #tpu.memory_space<vmem>>)
      %add3A_852 = arith.addi %mul3A_2, %add3A_833 : i32
      %dma_start3A_853 = arith.constant 7 : i32
      %dma_start3A_854 = arith.constant 7 : i32
      %dma_start3A_855 = arith.constant 0 : i32
      %dma_start3A_856 = arith.constant 0 : i32
      %dma_start3A_857 = tpu.memref_slice %arg6[%dma_start3A_853, %dma_start3A_855, %dma_start3A_856] : memref<8x200x64xf32, #tpu.memory_space<vmem>> -> memref<1x200x64xf32, #tpu.memory_space<vmem>>
      %dma_start3A_858 = tpu.memref_squeeze %dma_start3A_857 : memref<1x200x64xf32, #tpu.memory_space<vmem>> -> memref<200x64xf32, #tpu.memory_space<vmem>>
      %dma_start3A_859 = arith.constant 0 : i32
      %dma_start3A_860 = arith.constant 0 : i32
      %dma_start3A_861 = tpu.memref_slice %arg4[%add3A_852, %dma_start3A_859, %dma_start3A_860] : memref<4096x200x64xf32, #tpu.memory_space<hbm>> -> memref<1x200x64xf32, #tpu.memory_space<hbm>>
      %dma_start3A_862 = tpu.memref_squeeze %dma_start3A_861 : memref<1x200x64xf32, #tpu.memory_space<hbm>> -> memref<200x64xf32, #tpu.memory_space<hbm>>
      %dma_start3A_863 = tpu.memref_slice %arg8[%dma_start3A_854] : memref<8x!tpu.dma_semaphore, #tpu.memory_space<semaphore_mem>> -> memref<1x!tpu.dma_semaphore, #tpu.memory_space<semaphore_mem>>
      %dma_start3A_864 = tpu.memref_squeeze %dma_start3A_863 : memref<1x!tpu.dma_semaphore, #tpu.memory_space<semaphore_mem>> -> memref<!tpu.dma_semaphore, #tpu.memory_space<semaphore_mem>>
      %dma_start3A_865 = arith.constant 0 : i32
      %dma_start3A_866 = arith.constant 0 : i32
      %dma_start3A_867 = tpu.memref_slice %arg4[%add3A_852, %dma_start3A_865, %dma_start3A_866] : memref<4096x200x64xf32, #tpu.memory_space<hbm>> -> memref<1x200x64xf32, #tpu.memory_space<hbm>>
      %dma_start3A_868 = tpu.memref_squeeze %dma_start3A_867 : memref<1x200x64xf32, #tpu.memory_space<hbm>> -> memref<200x64xf32, #tpu.memory_space<hbm>>
      %dma_start3A_869 = arith.constant 0 : i32
      %dma_start3A_870 = arith.constant 0 : i32
      %dma_start3A_871 = tpu.memref_slice %arg6[%dma_start3A_853, %dma_start3A_869, %dma_start3A_870] : memref<8x200x64xf32, #tpu.memory_space<vmem>> -> memref<1x200x64xf32, #tpu.memory_space<vmem>>
      %dma_start3A_872 = tpu.memref_squeeze %dma_start3A_871 : memref<1x200x64xf32, #tpu.memory_space<vmem>> -> memref<200x64xf32, #tpu.memory_space<vmem>>
      tpu.enqueue_dma source(%dma_start3A_872 : memref<200x64xf32, #tpu.memory_space<vmem>>) target(%dma_start3A_868 : memref<200x64xf32, #tpu.memory_space<hbm>>) target_semaphore(%dma_start3A_864 : memref<!tpu.dma_semaphore, #tpu.memory_space<semaphore_mem>>)
      %dma_wait3A_873 = arith.constant 3 : i32
      %dma_wait3A_874 = arith.constant 3 : i32
      %dma_wait3A_875 = arith.constant 0 : i32
      %dma_wait3A_876 = arith.constant 0 : i32
      %dma_wait3A_877 = tpu.memref_slice %arg6[%dma_wait3A_873, %dma_wait3A_875, %dma_wait3A_876] : memref<8x200x64xf32, #tpu.memory_space<vmem>> -> memref<1x200x64xf32, #tpu.memory_space<vmem>>
      %dma_wait3A_878 = tpu.memref_squeeze %dma_wait3A_877 : memref<1x200x64xf32, #tpu.memory_space<vmem>> -> memref<200x64xf32, #tpu.memory_space<vmem>>
      %dma_wait3A_879 = arith.constant 0 : i32
      %dma_wait3A_880 = arith.constant 0 : i32
      %dma_wait3A_881 = tpu.memref_slice %arg3[%dma_wait3A_879, %dma_wait3A_880] : memref<1000000x64xf32, #tpu.memory_space<hbm>> -> memref<200x64xf32, #tpu.memory_space<hbm>>
      %dma_wait3A_882 = tpu.memref_slice %arg8[%dma_wait3A_874] : memref<8x!tpu.dma_semaphore, #tpu.memory_space<semaphore_mem>> -> memref<1x!tpu.dma_semaphore, #tpu.memory_space<semaphore_mem>>
      %dma_wait3A_883 = tpu.memref_squeeze %dma_wait3A_882 : memref<1x!tpu.dma_semaphore, #tpu.memory_space<semaphore_mem>> -> memref<!tpu.dma_semaphore, #tpu.memory_space<semaphore_mem>>
      %dma_wait3A_884 = arith.constant 0 : i32
      %dma_wait3A_885 = arith.constant 0 : i32
      %dma_wait3A_886 = tpu.memref_slice %arg6[%dma_wait3A_873, %dma_wait3A_884, %dma_wait3A_885] : memref<8x200x64xf32, #tpu.memory_space<vmem>> -> memref<1x200x64xf32, #tpu.memory_space<vmem>>
      %dma_wait3A_887 = tpu.memref_squeeze %dma_wait3A_886 : memref<1x200x64xf32, #tpu.memory_space<vmem>> -> memref<200x64xf32, #tpu.memory_space<vmem>>
      %dma_wait3A_888 = arith.constant 0 : i32
      %dma_wait3A_889 = arith.constant 0 : i32
      %dma_wait3A_890 = tpu.memref_slice %arg3[%dma_wait3A_888, %dma_wait3A_889] : memref<1000000x64xf32, #tpu.memory_space<hbm>> -> memref<200x64xf32, #tpu.memory_space<hbm>>
      tpu.wait_dma2 semaphore(%dma_wait3A_883 : memref<!tpu.dma_semaphore, #tpu.memory_space<semaphore_mem>>) src(%dma_wait3A_890 : memref<200x64xf32, #tpu.memory_space<hbm>>) dst(%dma_wait3A_887 : memref<200x64xf32, #tpu.memory_space<vmem>>)
      %add3A_891 = arith.constant 4 : i32
      %add3A_892 = arith.addi %add3A_833, %add3A_891 : i32
      %dma_start3A_893 = arith.constant 3 : i32
      %dma_start3A_894 = arith.constant 3 : i32
      %dma_start3A_895 = arith.constant 0 : i32
      %dma_start3A_896 = arith.constant 0 : i32
      %dma_start3A_897 = tpu.memref_slice %arg6[%dma_start3A_893, %dma_start3A_895, %dma_start3A_896] : memref<8x200x64xf32, #tpu.memory_space<vmem>> -> memref<1x200x64xf32, #tpu.memory_space<vmem>>
      %dma_start3A_898 = tpu.memref_squeeze %dma_start3A_897 : memref<1x200x64xf32, #tpu.memory_space<vmem>> -> memref<200x64xf32, #tpu.memory_space<vmem>>
      %dma_start3A_899 = arith.constant 0 : i32
      %dma_start3A_900 = tpu.memref_slice %arg5[%add3A_892, %dma_start3A_899] : memref<128x200xi32, #tpu.memory_space<vmem>> -> memref<1x200xi32, #tpu.memory_space<vmem>>
      %dma_start3A_901 = tpu.memref_squeeze %dma_start3A_900 : memref<1x200xi32, #tpu.memory_space<vmem>> -> memref<200xi32, #tpu.memory_space<vmem>>
      %dma_start3A_902 = arith.constant 0 : i32
      %dma_start3A_903 = arith.constant 0 : i32
      %dma_start3A_904 = tpu.memref_slice %arg3[%dma_start3A_902, %dma_start3A_903] : memref<1000000x64xf32, #tpu.memory_space<hbm>> -> memref<1000000x64xf32, #tpu.memory_space<hbm>>
      %dma_start3A_905 = tpu.memref_slice %arg7[%dma_start3A_894] : memref<8x!tpu.dma_semaphore, #tpu.memory_space<semaphore_mem>> -> memref<1x!tpu.dma_semaphore, #tpu.memory_space<semaphore_mem>>
      %dma_start3A_906 = tpu.memref_squeeze %dma_start3A_905 : memref<1x!tpu.dma_semaphore, #tpu.memory_space<semaphore_mem>> -> memref<!tpu.dma_semaphore, #tpu.memory_space<semaphore_mem>>
      tpu.enqueue_indirect_dma source(%dma_start3A_904 : memref<1000000x64xf32, #tpu.memory_space<hbm>>) target(%dma_start3A_898 : memref<200x64xf32, #tpu.memory_space<vmem>>) offsets(%dma_start3A_901 : memref<200xi32, #tpu.memory_space<vmem>>) semaphore(%dma_start3A_906 : memref<!tpu.dma_semaphore, #tpu.memory_space<semaphore_mem>>)
      %mul3A_907 = arith.constant 8 : i32
      %mul3A_908 = arith.muli %scan3A_590, %mul3A_907 : i32
      %add3A_909 = arith.constant 4 : i32
      %add3A_910 = arith.addi %mul3A_908, %add3A_909 : i32
      %add3A_911 = arith.constant 4 : i32
      %add3A_912 = arith.addi %add3A_910, %add3A_911 : i32
      %dma_wait3A_913 = arith.constant 0 : i32
      %dma_wait3A_914 = arith.constant 0 : i32
      %dma_wait3A_915 = arith.constant 0 : i32
      %dma_wait3A_916 = arith.constant 0 : i32
      %dma_wait3A_917 = tpu.memref_slice %arg6[%dma_wait3A_913, %dma_wait3A_915, %dma_wait3A_916] : memref<8x200x64xf32, #tpu.memory_space<vmem>> -> memref<1x200x64xf32, #tpu.memory_space<vmem>>
      %dma_wait3A_918 = tpu.memref_squeeze %dma_wait3A_917 : memref<1x200x64xf32, #tpu.memory_space<vmem>> -> memref<200x64xf32, #tpu.memory_space<vmem>>
      %dma_wait3A_919 = arith.constant 0 : i32
      %dma_wait3A_920 = arith.constant 0 : i32
      %dma_wait3A_921 = tpu.memref_slice %arg3[%dma_wait3A_919, %dma_wait3A_920] : memref<1000000x64xf32, #tpu.memory_space<hbm>> -> memref<200x64xf32, #tpu.memory_space<hbm>>
      %dma_wait3A_922 = tpu.memref_slice %arg7[%dma_wait3A_914] : memref<8x!tpu.dma_semaphore, #tpu.memory_space<semaphore_mem>> -> memref<1x!tpu.dma_semaphore, #tpu.memory_space<semaphore_mem>>
      %dma_wait3A_923 = tpu.memref_squeeze %dma_wait3A_922 : memref<1x!tpu.dma_semaphore, #tpu.memory_space<semaphore_mem>> -> memref<!tpu.dma_semaphore, #tpu.memory_space<semaphore_mem>>
      %dma_wait3A_924 = arith.constant 0 : i32
      %dma_wait3A_925 = arith.constant 0 : i32
      %dma_wait3A_926 = tpu.memref_slice %arg6[%dma_wait3A_913, %dma_wait3A_924, %dma_wait3A_925] : memref<8x200x64xf32, #tpu.memory_space<vmem>> -> memref<1x200x64xf32, #tpu.memory_space<vmem>>
      %dma_wait3A_927 = tpu.memref_squeeze %dma_wait3A_926 : memref<1x200x64xf32, #tpu.memory_space<vmem>> -> memref<200x64xf32, #tpu.memory_space<vmem>>
      %dma_wait3A_928 = arith.constant 0 : i32
      %dma_wait3A_929 = arith.constant 0 : i32
      %dma_wait3A_930 = tpu.memref_slice %arg3[%dma_wait3A_928, %dma_wait3A_929] : memref<1000000x64xf32, #tpu.memory_space<hbm>> -> memref<200x64xf32, #tpu.memory_space<hbm>>
      tpu.wait_dma2 semaphore(%dma_wait3A_923 : memref<!tpu.dma_semaphore, #tpu.memory_space<semaphore_mem>>) src(%dma_wait3A_930 : memref<200x64xf32, #tpu.memory_space<hbm>>) dst(%dma_wait3A_927 : memref<200x64xf32, #tpu.memory_space<vmem>>)
      %add3A_931 = arith.addi %mul3A_2, %add3A_912 : i32
      %dma_start3A_932 = arith.constant 0 : i32
      %dma_start3A_933 = arith.constant 0 : i32
      %dma_start3A_934 = arith.constant 0 : i32
      %dma_start3A_935 = arith.constant 0 : i32
      %dma_start3A_936 = tpu.memref_slice %arg6[%dma_start3A_932, %dma_start3A_934, %dma_start3A_935] : memref<8x200x64xf32, #tpu.memory_space<vmem>> -> memref<1x200x64xf32, #tpu.memory_space<vmem>>
      %dma_start3A_937 = tpu.memref_squeeze %dma_start3A_936 : memref<1x200x64xf32, #tpu.memory_space<vmem>> -> memref<200x64xf32, #tpu.memory_space<vmem>>
      %dma_start3A_938 = arith.constant 0 : i32
      %dma_start3A_939 = arith.constant 0 : i32
      %dma_start3A_940 = tpu.memref_slice %arg4[%add3A_931, %dma_start3A_938, %dma_start3A_939] : memref<4096x200x64xf32, #tpu.memory_space<hbm>> -> memref<1x200x64xf32, #tpu.memory_space<hbm>>
      %dma_start3A_941 = tpu.memref_squeeze %dma_start3A_940 : memref<1x200x64xf32, #tpu.memory_space<hbm>> -> memref<200x64xf32, #tpu.memory_space<hbm>>
      %dma_start3A_942 = tpu.memref_slice %arg8[%dma_start3A_933] : memref<8x!tpu.dma_semaphore, #tpu.memory_space<semaphore_mem>> -> memref<1x!tpu.dma_semaphore, #tpu.memory_space<semaphore_mem>>
      %dma_start3A_943 = tpu.memref_squeeze %dma_start3A_942 : memref<1x!tpu.dma_semaphore, #tpu.memory_space<semaphore_mem>> -> memref<!tpu.dma_semaphore, #tpu.memory_space<semaphore_mem>>
      %dma_start3A_944 = arith.constant 0 : i32
      %dma_start3A_945 = arith.constant 0 : i32
      %dma_start3A_946 = tpu.memref_slice %arg4[%add3A_931, %dma_start3A_944, %dma_start3A_945] : memref<4096x200x64xf32, #tpu.memory_space<hbm>> -> memref<1x200x64xf32, #tpu.memory_space<hbm>>
      %dma_start3A_947 = tpu.memref_squeeze %dma_start3A_946 : memref<1x200x64xf32, #tpu.memory_space<hbm>> -> memref<200x64xf32, #tpu.memory_space<hbm>>
      %dma_start3A_948 = arith.constant 0 : i32
      %dma_start3A_949 = arith.constant 0 : i32
      %dma_start3A_950 = tpu.memref_slice %arg6[%dma_start3A_932, %dma_start3A_948, %dma_start3A_949] : memref<8x200x64xf32, #tpu.memory_space<vmem>> -> memref<1x200x64xf32, #tpu.memory_space<vmem>>
      %dma_start3A_951 = tpu.memref_squeeze %dma_start3A_950 : memref<1x200x64xf32, #tpu.memory_space<vmem>> -> memref<200x64xf32, #tpu.memory_space<vmem>>
      tpu.enqueue_dma source(%dma_start3A_951 : memref<200x64xf32, #tpu.memory_space<vmem>>) target(%dma_start3A_947 : memref<200x64xf32, #tpu.memory_space<hbm>>) target_semaphore(%dma_start3A_943 : memref<!tpu.dma_semaphore, #tpu.memory_space<semaphore_mem>>)
      %dma_wait3A_952 = arith.constant 4 : i32
      %dma_wait3A_953 = arith.constant 4 : i32
      %dma_wait3A_954 = arith.constant 0 : i32
      %dma_wait3A_955 = arith.constant 0 : i32
      %dma_wait3A_956 = tpu.memref_slice %arg6[%dma_wait3A_952, %dma_wait3A_954, %dma_wait3A_955] : memref<8x200x64xf32, #tpu.memory_space<vmem>> -> memref<1x200x64xf32, #tpu.memory_space<vmem>>
      %dma_wait3A_957 = tpu.memref_squeeze %dma_wait3A_956 : memref<1x200x64xf32, #tpu.memory_space<vmem>> -> memref<200x64xf32, #tpu.memory_space<vmem>>
      %dma_wait3A_958 = arith.constant 0 : i32
      %dma_wait3A_959 = arith.constant 0 : i32
      %dma_wait3A_960 = tpu.memref_slice %arg3[%dma_wait3A_958, %dma_wait3A_959] : memref<1000000x64xf32, #tpu.memory_space<hbm>> -> memref<200x64xf32, #tpu.memory_space<hbm>>
      %dma_wait3A_961 = tpu.memref_slice %arg8[%dma_wait3A_953] : memref<8x!tpu.dma_semaphore, #tpu.memory_space<semaphore_mem>> -> memref<1x!tpu.dma_semaphore, #tpu.memory_space<semaphore_mem>>
      %dma_wait3A_962 = tpu.memref_squeeze %dma_wait3A_961 : memref<1x!tpu.dma_semaphore, #tpu.memory_space<semaphore_mem>> -> memref<!tpu.dma_semaphore, #tpu.memory_space<semaphore_mem>>
      %dma_wait3A_963 = arith.constant 0 : i32
      %dma_wait3A_964 = arith.constant 0 : i32
      %dma_wait3A_965 = tpu.memref_slice %arg6[%dma_wait3A_952, %dma_wait3A_963, %dma_wait3A_964] : memref<8x200x64xf32, #tpu.memory_space<vmem>> -> memref<1x200x64xf32, #tpu.memory_space<vmem>>
      %dma_wait3A_966 = tpu.memref_squeeze %dma_wait3A_965 : memref<1x200x64xf32, #tpu.memory_space<vmem>> -> memref<200x64xf32, #tpu.memory_space<vmem>>
      %dma_wait3A_967 = arith.constant 0 : i32
      %dma_wait3A_968 = arith.constant 0 : i32
      %dma_wait3A_969 = tpu.memref_slice %arg3[%dma_wait3A_967, %dma_wait3A_968] : memref<1000000x64xf32, #tpu.memory_space<hbm>> -> memref<200x64xf32, #tpu.memory_space<hbm>>
      tpu.wait_dma2 semaphore(%dma_wait3A_962 : memref<!tpu.dma_semaphore, #tpu.memory_space<semaphore_mem>>) src(%dma_wait3A_969 : memref<200x64xf32, #tpu.memory_space<hbm>>) dst(%dma_wait3A_966 : memref<200x64xf32, #tpu.memory_space<vmem>>)
      %add3A_970 = arith.constant 4 : i32
      %add3A_971 = arith.addi %add3A_912, %add3A_970 : i32
      %dma_start3A_972 = arith.constant 4 : i32
      %dma_start3A_973 = arith.constant 4 : i32
      %dma_start3A_974 = arith.constant 0 : i32
      %dma_start3A_975 = arith.constant 0 : i32
      %dma_start3A_976 = tpu.memref_slice %arg6[%dma_start3A_972, %dma_start3A_974, %dma_start3A_975] : memref<8x200x64xf32, #tpu.memory_space<vmem>> -> memref<1x200x64xf32, #tpu.memory_space<vmem>>
      %dma_start3A_977 = tpu.memref_squeeze %dma_start3A_976 : memref<1x200x64xf32, #tpu.memory_space<vmem>> -> memref<200x64xf32, #tpu.memory_space<vmem>>
      %dma_start3A_978 = arith.constant 0 : i32
      %dma_start3A_979 = tpu.memref_slice %arg5[%add3A_971, %dma_start3A_978] : memref<128x200xi32, #tpu.memory_space<vmem>> -> memref<1x200xi32, #tpu.memory_space<vmem>>
      %dma_start3A_980 = tpu.memref_squeeze %dma_start3A_979 : memref<1x200xi32, #tpu.memory_space<vmem>> -> memref<200xi32, #tpu.memory_space<vmem>>
      %dma_start3A_981 = arith.constant 0 : i32
      %dma_start3A_982 = arith.constant 0 : i32
      %dma_start3A_983 = tpu.memref_slice %arg3[%dma_start3A_981, %dma_start3A_982] : memref<1000000x64xf32, #tpu.memory_space<hbm>> -> memref<1000000x64xf32, #tpu.memory_space<hbm>>
      %dma_start3A_984 = tpu.memref_slice %arg7[%dma_start3A_973] : memref<8x!tpu.dma_semaphore, #tpu.memory_space<semaphore_mem>> -> memref<1x!tpu.dma_semaphore, #tpu.memory_space<semaphore_mem>>
      %dma_start3A_985 = tpu.memref_squeeze %dma_start3A_984 : memref<1x!tpu.dma_semaphore, #tpu.memory_space<semaphore_mem>> -> memref<!tpu.dma_semaphore, #tpu.memory_space<semaphore_mem>>
      tpu.enqueue_indirect_dma source(%dma_start3A_983 : memref<1000000x64xf32, #tpu.memory_space<hbm>>) target(%dma_start3A_977 : memref<200x64xf32, #tpu.memory_space<vmem>>) offsets(%dma_start3A_980 : memref<200xi32, #tpu.memory_space<vmem>>) semaphore(%dma_start3A_985 : memref<!tpu.dma_semaphore, #tpu.memory_space<semaphore_mem>>)
      %mul3A_986 = arith.constant 8 : i32
      %mul3A_987 = arith.muli %scan3A_590, %mul3A_986 : i32
      %add3A_988 = arith.constant 4 : i32
      %add3A_989 = arith.addi %mul3A_987, %add3A_988 : i32
      %add3A_990 = arith.constant 5 : i32
      %add3A_991 = arith.addi %add3A_989, %add3A_990 : i32
      %dma_wait3A_992 = arith.constant 1 : i32
      %dma_wait3A_993 = arith.constant 1 : i32
      %dma_wait3A_994 = arith.constant 0 : i32
      %dma_wait3A_995 = arith.constant 0 : i32
      %dma_wait3A_996 = tpu.memref_slice %arg6[%dma_wait3A_992, %dma_wait3A_994, %dma_wait3A_995] : memref<8x200x64xf32, #tpu.memory_space<vmem>> -> memref<1x200x64xf32, #tpu.memory_space<vmem>>
      %dma_wait3A_997 = tpu.memref_squeeze %dma_wait3A_996 : memref<1x200x64xf32, #tpu.memory_space<vmem>> -> memref<200x64xf32, #tpu.memory_space<vmem>>
      %dma_wait3A_998 = arith.constant 0 : i32
      %dma_wait3A_999 = arith.constant 0 : i32
      %dma_wait3A_1000 = tpu.memref_slice %arg3[%dma_wait3A_998, %dma_wait3A_999] : memref<1000000x64xf32, #tpu.memory_space<hbm>> -> memref<200x64xf32, #tpu.memory_space<hbm>>
      %dma_wait3A_1001 = tpu.memref_slice %arg7[%dma_wait3A_993] : memref<8x!tpu.dma_semaphore, #tpu.memory_space<semaphore_mem>> -> memref<1x!tpu.dma_semaphore, #tpu.memory_space<semaphore_mem>>
      %dma_wait3A_1002 = tpu.memref_squeeze %dma_wait3A_1001 : memref<1x!tpu.dma_semaphore, #tpu.memory_space<semaphore_mem>> -> memref<!tpu.dma_semaphore, #tpu.memory_space<semaphore_mem>>
      %dma_wait3A_1003 = arith.constant 0 : i32
      %dma_wait3A_1004 = arith.constant 0 : i32
      %dma_wait3A_1005 = tpu.memref_slice %arg6[%dma_wait3A_992, %dma_wait3A_1003, %dma_wait3A_1004] : memref<8x200x64xf32, #tpu.memory_space<vmem>> -> memref<1x200x64xf32, #tpu.memory_space<vmem>>
      %dma_wait3A_1006 = tpu.memref_squeeze %dma_wait3A_1005 : memref<1x200x64xf32, #tpu.memory_space<vmem>> -> memref<200x64xf32, #tpu.memory_space<vmem>>
      %dma_wait3A_1007 = arith.constant 0 : i32
      %dma_wait3A_1008 = arith.constant 0 : i32
      %dma_wait3A_1009 = tpu.memref_slice %arg3[%dma_wait3A_1007, %dma_wait3A_1008] : memref<1000000x64xf32, #tpu.memory_space<hbm>> -> memref<200x64xf32, #tpu.memory_space<hbm>>
      tpu.wait_dma2 semaphore(%dma_wait3A_1002 : memref<!tpu.dma_semaphore, #tpu.memory_space<semaphore_mem>>) src(%dma_wait3A_1009 : memref<200x64xf32, #tpu.memory_space<hbm>>) dst(%dma_wait3A_1006 : memref<200x64xf32, #tpu.memory_space<vmem>>)
      %add3A_1010 = arith.addi %mul3A_2, %add3A_991 : i32
      %dma_start3A_1011 = arith.constant 1 : i32
      %dma_start3A_1012 = arith.constant 1 : i32
      %dma_start3A_1013 = arith.constant 0 : i32
      %dma_start3A_1014 = arith.constant 0 : i32
      %dma_start3A_1015 = tpu.memref_slice %arg6[%dma_start3A_1011, %dma_start3A_1013, %dma_start3A_1014] : memref<8x200x64xf32, #tpu.memory_space<vmem>> -> memref<1x200x64xf32, #tpu.memory_space<vmem>>
      %dma_start3A_1016 = tpu.memref_squeeze %dma_start3A_1015 : memref<1x200x64xf32, #tpu.memory_space<vmem>> -> memref<200x64xf32, #tpu.memory_space<vmem>>
      %dma_start3A_1017 = arith.constant 0 : i32
      %dma_start3A_1018 = arith.constant 0 : i32
      %dma_start3A_1019 = tpu.memref_slice %arg4[%add3A_1010, %dma_start3A_1017, %dma_start3A_1018] : memref<4096x200x64xf32, #tpu.memory_space<hbm>> -> memref<1x200x64xf32, #tpu.memory_space<hbm>>
      %dma_start3A_1020 = tpu.memref_squeeze %dma_start3A_1019 : memref<1x200x64xf32, #tpu.memory_space<hbm>> -> memref<200x64xf32, #tpu.memory_space<hbm>>
      %dma_start3A_1021 = tpu.memref_slice %arg8[%dma_start3A_1012] : memref<8x!tpu.dma_semaphore, #tpu.memory_space<semaphore_mem>> -> memref<1x!tpu.dma_semaphore, #tpu.memory_space<semaphore_mem>>
      %dma_start3A_1022 = tpu.memref_squeeze %dma_start3A_1021 : memref<1x!tpu.dma_semaphore, #tpu.memory_space<semaphore_mem>> -> memref<!tpu.dma_semaphore, #tpu.memory_space<semaphore_mem>>
      %dma_start3A_1023 = arith.constant 0 : i32
      %dma_start3A_1024 = arith.constant 0 : i32
      %dma_start3A_1025 = tpu.memref_slice %arg4[%add3A_1010, %dma_start3A_1023, %dma_start3A_1024] : memref<4096x200x64xf32, #tpu.memory_space<hbm>> -> memref<1x200x64xf32, #tpu.memory_space<hbm>>
      %dma_start3A_1026 = tpu.memref_squeeze %dma_start3A_1025 : memref<1x200x64xf32, #tpu.memory_space<hbm>> -> memref<200x64xf32, #tpu.memory_space<hbm>>
      %dma_start3A_1027 = arith.constant 0 : i32
      %dma_start3A_1028 = arith.constant 0 : i32
      %dma_start3A_1029 = tpu.memref_slice %arg6[%dma_start3A_1011, %dma_start3A_1027, %dma_start3A_1028] : memref<8x200x64xf32, #tpu.memory_space<vmem>> -> memref<1x200x64xf32, #tpu.memory_space<vmem>>
      %dma_start3A_1030 = tpu.memref_squeeze %dma_start3A_1029 : memref<1x200x64xf32, #tpu.memory_space<vmem>> -> memref<200x64xf32, #tpu.memory_space<vmem>>
      tpu.enqueue_dma source(%dma_start3A_1030 : memref<200x64xf32, #tpu.memory_space<vmem>>) target(%dma_start3A_1026 : memref<200x64xf32, #tpu.memory_space<hbm>>) target_semaphore(%dma_start3A_1022 : memref<!tpu.dma_semaphore, #tpu.memory_space<semaphore_mem>>)
      %dma_wait3A_1031 = arith.constant 5 : i32
      %dma_wait3A_1032 = arith.constant 5 : i32
      %dma_wait3A_1033 = arith.constant 0 : i32
      %dma_wait3A_1034 = arith.constant 0 : i32
      %dma_wait3A_1035 = tpu.memref_slice %arg6[%dma_wait3A_1031, %dma_wait3A_1033, %dma_wait3A_1034] : memref<8x200x64xf32, #tpu.memory_space<vmem>> -> memref<1x200x64xf32, #tpu.memory_space<vmem>>
      %dma_wait3A_1036 = tpu.memref_squeeze %dma_wait3A_1035 : memref<1x200x64xf32, #tpu.memory_space<vmem>> -> memref<200x64xf32, #tpu.memory_space<vmem>>
      %dma_wait3A_1037 = arith.constant 0 : i32
      %dma_wait3A_1038 = arith.constant 0 : i32
      %dma_wait3A_1039 = tpu.memref_slice %arg3[%dma_wait3A_1037, %dma_wait3A_1038] : memref<1000000x64xf32, #tpu.memory_space<hbm>> -> memref<200x64xf32, #tpu.memory_space<hbm>>
      %dma_wait3A_1040 = tpu.memref_slice %arg8[%dma_wait3A_1032] : memref<8x!tpu.dma_semaphore, #tpu.memory_space<semaphore_mem>> -> memref<1x!tpu.dma_semaphore, #tpu.memory_space<semaphore_mem>>
      %dma_wait3A_1041 = tpu.memref_squeeze %dma_wait3A_1040 : memref<1x!tpu.dma_semaphore, #tpu.memory_space<semaphore_mem>> -> memref<!tpu.dma_semaphore, #tpu.memory_space<semaphore_mem>>
      %dma_wait3A_1042 = arith.constant 0 : i32
      %dma_wait3A_1043 = arith.constant 0 : i32
      %dma_wait3A_1044 = tpu.memref_slice %arg6[%dma_wait3A_1031, %dma_wait3A_1042, %dma_wait3A_1043] : memref<8x200x64xf32, #tpu.memory_space<vmem>> -> memref<1x200x64xf32, #tpu.memory_space<vmem>>
      %dma_wait3A_1045 = tpu.memref_squeeze %dma_wait3A_1044 : memref<1x200x64xf32, #tpu.memory_space<vmem>> -> memref<200x64xf32, #tpu.memory_space<vmem>>
      %dma_wait3A_1046 = arith.constant 0 : i32
      %dma_wait3A_1047 = arith.constant 0 : i32
      %dma_wait3A_1048 = tpu.memref_slice %arg3[%dma_wait3A_1046, %dma_wait3A_1047] : memref<1000000x64xf32, #tpu.memory_space<hbm>> -> memref<200x64xf32, #tpu.memory_space<hbm>>
      tpu.wait_dma2 semaphore(%dma_wait3A_1041 : memref<!tpu.dma_semaphore, #tpu.memory_space<semaphore_mem>>) src(%dma_wait3A_1048 : memref<200x64xf32, #tpu.memory_space<hbm>>) dst(%dma_wait3A_1045 : memref<200x64xf32, #tpu.memory_space<vmem>>)
      %add3A_1049 = arith.constant 4 : i32
      %add3A_1050 = arith.addi %add3A_991, %add3A_1049 : i32
      %dma_start3A_1051 = arith.constant 5 : i32
      %dma_start3A_1052 = arith.constant 5 : i32
      %dma_start3A_1053 = arith.constant 0 : i32
      %dma_start3A_1054 = arith.constant 0 : i32
      %dma_start3A_1055 = tpu.memref_slice %arg6[%dma_start3A_1051, %dma_start3A_1053, %dma_start3A_1054] : memref<8x200x64xf32, #tpu.memory_space<vmem>> -> memref<1x200x64xf32, #tpu.memory_space<vmem>>
      %dma_start3A_1056 = tpu.memref_squeeze %dma_start3A_1055 : memref<1x200x64xf32, #tpu.memory_space<vmem>> -> memref<200x64xf32, #tpu.memory_space<vmem>>
      %dma_start3A_1057 = arith.constant 0 : i32
      %dma_start3A_1058 = tpu.memref_slice %arg5[%add3A_1050, %dma_start3A_1057] : memref<128x200xi32, #tpu.memory_space<vmem>> -> memref<1x200xi32, #tpu.memory_space<vmem>>
      %dma_start3A_1059 = tpu.memref_squeeze %dma_start3A_1058 : memref<1x200xi32, #tpu.memory_space<vmem>> -> memref<200xi32, #tpu.memory_space<vmem>>
      %dma_start3A_1060 = arith.constant 0 : i32
      %dma_start3A_1061 = arith.constant 0 : i32
      %dma_start3A_1062 = tpu.memref_slice %arg3[%dma_start3A_1060, %dma_start3A_1061] : memref<1000000x64xf32, #tpu.memory_space<hbm>> -> memref<1000000x64xf32, #tpu.memory_space<hbm>>
      %dma_start3A_1063 = tpu.memref_slice %arg7[%dma_start3A_1052] : memref<8x!tpu.dma_semaphore, #tpu.memory_space<semaphore_mem>> -> memref<1x!tpu.dma_semaphore, #tpu.memory_space<semaphore_mem>>
      %dma_start3A_1064 = tpu.memref_squeeze %dma_start3A_1063 : memref<1x!tpu.dma_semaphore, #tpu.memory_space<semaphore_mem>> -> memref<!tpu.dma_semaphore, #tpu.memory_space<semaphore_mem>>
      tpu.enqueue_indirect_dma source(%dma_start3A_1062 : memref<1000000x64xf32, #tpu.memory_space<hbm>>) target(%dma_start3A_1056 : memref<200x64xf32, #tpu.memory_space<vmem>>) offsets(%dma_start3A_1059 : memref<200xi32, #tpu.memory_space<vmem>>) semaphore(%dma_start3A_1064 : memref<!tpu.dma_semaphore, #tpu.memory_space<semaphore_mem>>)
      %mul3A_1065 = arith.constant 8 : i32
      %mul3A_1066 = arith.muli %scan3A_590, %mul3A_1065 : i32
      %add3A_1067 = arith.constant 4 : i32
      %add3A_1068 = arith.addi %mul3A_1066, %add3A_1067 : i32
      %add3A_1069 = arith.constant 6 : i32
      %add3A_1070 = arith.addi %add3A_1068, %add3A_1069 : i32
      %dma_wait3A_1071 = arith.constant 2 : i32
      %dma_wait3A_1072 = arith.constant 2 : i32
      %dma_wait3A_1073 = arith.constant 0 : i32
      %dma_wait3A_1074 = arith.constant 0 : i32
      %dma_wait3A_1075 = tpu.memref_slice %arg6[%dma_wait3A_1071, %dma_wait3A_1073, %dma_wait3A_1074] : memref<8x200x64xf32, #tpu.memory_space<vmem>> -> memref<1x200x64xf32, #tpu.memory_space<vmem>>
      %dma_wait3A_1076 = tpu.memref_squeeze %dma_wait3A_1075 : memref<1x200x64xf32, #tpu.memory_space<vmem>> -> memref<200x64xf32, #tpu.memory_space<vmem>>
      %dma_wait3A_1077 = arith.constant 0 : i32
      %dma_wait3A_1078 = arith.constant 0 : i32
      %dma_wait3A_1079 = tpu.memref_slice %arg3[%dma_wait3A_1077, %dma_wait3A_1078] : memref<1000000x64xf32, #tpu.memory_space<hbm>> -> memref<200x64xf32, #tpu.memory_space<hbm>>
      %dma_wait3A_1080 = tpu.memref_slice %arg7[%dma_wait3A_1072] : memref<8x!tpu.dma_semaphore, #tpu.memory_space<semaphore_mem>> -> memref<1x!tpu.dma_semaphore, #tpu.memory_space<semaphore_mem>>
      %dma_wait3A_1081 = tpu.memref_squeeze %dma_wait3A_1080 : memref<1x!tpu.dma_semaphore, #tpu.memory_space<semaphore_mem>> -> memref<!tpu.dma_semaphore, #tpu.memory_space<semaphore_mem>>
      %dma_wait3A_1082 = arith.constant 0 : i32
      %dma_wait3A_1083 = arith.constant 0 : i32
      %dma_wait3A_1084 = tpu.memref_slice %arg6[%dma_wait3A_1071, %dma_wait3A_1082, %dma_wait3A_1083] : memref<8x200x64xf32, #tpu.memory_space<vmem>> -> memref<1x200x64xf32, #tpu.memory_space<vmem>>
      %dma_wait3A_1085 = tpu.memref_squeeze %dma_wait3A_1084 : memref<1x200x64xf32, #tpu.memory_space<vmem>> -> memref<200x64xf32, #tpu.memory_space<vmem>>
      %dma_wait3A_1086 = arith.constant 0 : i32
      %dma_wait3A_1087 = arith.constant 0 : i32
      %dma_wait3A_1088 = tpu.memref_slice %arg3[%dma_wait3A_1086, %dma_wait3A_1087] : memref<1000000x64xf32, #tpu.memory_space<hbm>> -> memref<200x64xf32, #tpu.memory_space<hbm>>
      tpu.wait_dma2 semaphore(%dma_wait3A_1081 : memref<!tpu.dma_semaphore, #tpu.memory_space<semaphore_mem>>) src(%dma_wait3A_1088 : memref<200x64xf32, #tpu.memory_space<hbm>>) dst(%dma_wait3A_1085 : memref<200x64xf32, #tpu.memory_space<vmem>>)
      %add3A_1089 = arith.addi %mul3A_2, %add3A_1070 : i32
      %dma_start3A_1090 = arith.constant 2 : i32
      %dma_start3A_1091 = arith.constant 2 : i32
      %dma_start3A_1092 = arith.constant 0 : i32
      %dma_start3A_1093 = arith.constant 0 : i32
      %dma_start3A_1094 = tpu.memref_slice %arg6[%dma_start3A_1090, %dma_start3A_1092, %dma_start3A_1093] : memref<8x200x64xf32, #tpu.memory_space<vmem>> -> memref<1x200x64xf32, #tpu.memory_space<vmem>>
      %dma_start3A_1095 = tpu.memref_squeeze %dma_start3A_1094 : memref<1x200x64xf32, #tpu.memory_space<vmem>> -> memref<200x64xf32, #tpu.memory_space<vmem>>
      %dma_start3A_1096 = arith.constant 0 : i32
      %dma_start3A_1097 = arith.constant 0 : i32
      %dma_start3A_1098 = tpu.memref_slice %arg4[%add3A_1089, %dma_start3A_1096, %dma_start3A_1097] : memref<4096x200x64xf32, #tpu.memory_space<hbm>> -> memref<1x200x64xf32, #tpu.memory_space<hbm>>
      %dma_start3A_1099 = tpu.memref_squeeze %dma_start3A_1098 : memref<1x200x64xf32, #tpu.memory_space<hbm>> -> memref<200x64xf32, #tpu.memory_space<hbm>>
      %dma_start3A_1100 = tpu.memref_slice %arg8[%dma_start3A_1091] : memref<8x!tpu.dma_semaphore, #tpu.memory_space<semaphore_mem>> -> memref<1x!tpu.dma_semaphore, #tpu.memory_space<semaphore_mem>>
      %dma_start3A_1101 = tpu.memref_squeeze %dma_start3A_1100 : memref<1x!tpu.dma_semaphore, #tpu.memory_space<semaphore_mem>> -> memref<!tpu.dma_semaphore, #tpu.memory_space<semaphore_mem>>
      %dma_start3A_1102 = arith.constant 0 : i32
      %dma_start3A_1103 = arith.constant 0 : i32
      %dma_start3A_1104 = tpu.memref_slice %arg4[%add3A_1089, %dma_start3A_1102, %dma_start3A_1103] : memref<4096x200x64xf32, #tpu.memory_space<hbm>> -> memref<1x200x64xf32, #tpu.memory_space<hbm>>
      %dma_start3A_1105 = tpu.memref_squeeze %dma_start3A_1104 : memref<1x200x64xf32, #tpu.memory_space<hbm>> -> memref<200x64xf32, #tpu.memory_space<hbm>>
      %dma_start3A_1106 = arith.constant 0 : i32
      %dma_start3A_1107 = arith.constant 0 : i32
      %dma_start3A_1108 = tpu.memref_slice %arg6[%dma_start3A_1090, %dma_start3A_1106, %dma_start3A_1107] : memref<8x200x64xf32, #tpu.memory_space<vmem>> -> memref<1x200x64xf32, #tpu.memory_space<vmem>>
      %dma_start3A_1109 = tpu.memref_squeeze %dma_start3A_1108 : memref<1x200x64xf32, #tpu.memory_space<vmem>> -> memref<200x64xf32, #tpu.memory_space<vmem>>
      tpu.enqueue_dma source(%dma_start3A_1109 : memref<200x64xf32, #tpu.memory_space<vmem>>) target(%dma_start3A_1105 : memref<200x64xf32, #tpu.memory_space<hbm>>) target_semaphore(%dma_start3A_1101 : memref<!tpu.dma_semaphore, #tpu.memory_space<semaphore_mem>>)
      %dma_wait3A_1110 = arith.constant 6 : i32
      %dma_wait3A_1111 = arith.constant 6 : i32
      %dma_wait3A_1112 = arith.constant 0 : i32
      %dma_wait3A_1113 = arith.constant 0 : i32
      %dma_wait3A_1114 = tpu.memref_slice %arg6[%dma_wait3A_1110, %dma_wait3A_1112, %dma_wait3A_1113] : memref<8x200x64xf32, #tpu.memory_space<vmem>> -> memref<1x200x64xf32, #tpu.memory_space<vmem>>
      %dma_wait3A_1115 = tpu.memref_squeeze %dma_wait3A_1114 : memref<1x200x64xf32, #tpu.memory_space<vmem>> -> memref<200x64xf32, #tpu.memory_space<vmem>>
      %dma_wait3A_1116 = arith.constant 0 : i32
      %dma_wait3A_1117 = arith.constant 0 : i32
      %dma_wait3A_1118 = tpu.memref_slice %arg3[%dma_wait3A_1116, %dma_wait3A_1117] : memref<1000000x64xf32, #tpu.memory_space<hbm>> -> memref<200x64xf32, #tpu.memory_space<hbm>>
      %dma_wait3A_1119 = tpu.memref_slice %arg8[%dma_wait3A_1111] : memref<8x!tpu.dma_semaphore, #tpu.memory_space<semaphore_mem>> -> memref<1x!tpu.dma_semaphore, #tpu.memory_space<semaphore_mem>>
      %dma_wait3A_1120 = tpu.memref_squeeze %dma_wait3A_1119 : memref<1x!tpu.dma_semaphore, #tpu.memory_space<semaphore_mem>> -> memref<!tpu.dma_semaphore, #tpu.memory_space<semaphore_mem>>
      %dma_wait3A_1121 = arith.constant 0 : i32
      %dma_wait3A_1122 = arith.constant 0 : i32
      %dma_wait3A_1123 = tpu.memref_slice %arg6[%dma_wait3A_1110, %dma_wait3A_1121, %dma_wait3A_1122] : memref<8x200x64xf32, #tpu.memory_space<vmem>> -> memref<1x200x64xf32, #tpu.memory_space<vmem>>
      %dma_wait3A_1124 = tpu.memref_squeeze %dma_wait3A_1123 : memref<1x200x64xf32, #tpu.memory_space<vmem>> -> memref<200x64xf32, #tpu.memory_space<vmem>>
      %dma_wait3A_1125 = arith.constant 0 : i32
      %dma_wait3A_1126 = arith.constant 0 : i32
      %dma_wait3A_1127 = tpu.memref_slice %arg3[%dma_wait3A_1125, %dma_wait3A_1126] : memref<1000000x64xf32, #tpu.memory_space<hbm>> -> memref<200x64xf32, #tpu.memory_space<hbm>>
      tpu.wait_dma2 semaphore(%dma_wait3A_1120 : memref<!tpu.dma_semaphore, #tpu.memory_space<semaphore_mem>>) src(%dma_wait3A_1127 : memref<200x64xf32, #tpu.memory_space<hbm>>) dst(%dma_wait3A_1124 : memref<200x64xf32, #tpu.memory_space<vmem>>)
      %add3A_1128 = arith.constant 4 : i32
      %add3A_1129 = arith.addi %add3A_1070, %add3A_1128 : i32
      %dma_start3A_1130 = arith.constant 6 : i32
      %dma_start3A_1131 = arith.constant 6 : i32
      %dma_start3A_1132 = arith.constant 0 : i32
      %dma_start3A_1133 = arith.constant 0 : i32
      %dma_start3A_1134 = tpu.memref_slice %arg6[%dma_start3A_1130, %dma_start3A_1132, %dma_start3A_1133] : memref<8x200x64xf32, #tpu.memory_space<vmem>> -> memref<1x200x64xf32, #tpu.memory_space<vmem>>
      %dma_start3A_1135 = tpu.memref_squeeze %dma_start3A_1134 : memref<1x200x64xf32, #tpu.memory_space<vmem>> -> memref<200x64xf32, #tpu.memory_space<vmem>>
      %dma_start3A_1136 = arith.constant 0 : i32
      %dma_start3A_1137 = tpu.memref_slice %arg5[%add3A_1129, %dma_start3A_1136] : memref<128x200xi32, #tpu.memory_space<vmem>> -> memref<1x200xi32, #tpu.memory_space<vmem>>
      %dma_start3A_1138 = tpu.memref_squeeze %dma_start3A_1137 : memref<1x200xi32, #tpu.memory_space<vmem>> -> memref<200xi32, #tpu.memory_space<vmem>>
      %dma_start3A_1139 = arith.constant 0 : i32
      %dma_start3A_1140 = arith.constant 0 : i32
      %dma_start3A_1141 = tpu.memref_slice %arg3[%dma_start3A_1139, %dma_start3A_1140] : memref<1000000x64xf32, #tpu.memory_space<hbm>> -> memref<1000000x64xf32, #tpu.memory_space<hbm>>
      %dma_start3A_1142 = tpu.memref_slice %arg7[%dma_start3A_1131] : memref<8x!tpu.dma_semaphore, #tpu.memory_space<semaphore_mem>> -> memref<1x!tpu.dma_semaphore, #tpu.memory_space<semaphore_mem>>
      %dma_start3A_1143 = tpu.memref_squeeze %dma_start3A_1142 : memref<1x!tpu.dma_semaphore, #tpu.memory_space<semaphore_mem>> -> memref<!tpu.dma_semaphore, #tpu.memory_space<semaphore_mem>>
      tpu.enqueue_indirect_dma source(%dma_start3A_1141 : memref<1000000x64xf32, #tpu.memory_space<hbm>>) target(%dma_start3A_1135 : memref<200x64xf32, #tpu.memory_space<vmem>>) offsets(%dma_start3A_1138 : memref<200xi32, #tpu.memory_space<vmem>>) semaphore(%dma_start3A_1143 : memref<!tpu.dma_semaphore, #tpu.memory_space<semaphore_mem>>)
      %mul3A_1144 = arith.constant 8 : i32
      %mul3A_1145 = arith.muli %scan3A_590, %mul3A_1144 : i32
      %add3A_1146 = arith.constant 4 : i32
      %add3A_1147 = arith.addi %mul3A_1145, %add3A_1146 : i32
      %add3A_1148 = arith.constant 7 : i32
      %add3A_1149 = arith.addi %add3A_1147, %add3A_1148 : i32
      %dma_wait3A_1150 = arith.constant 3 : i32
      %dma_wait3A_1151 = arith.constant 3 : i32
      %dma_wait3A_1152 = arith.constant 0 : i32
      %dma_wait3A_1153 = arith.constant 0 : i32
      %dma_wait3A_1154 = tpu.memref_slice %arg6[%dma_wait3A_1150, %dma_wait3A_1152, %dma_wait3A_1153] : memref<8x200x64xf32, #tpu.memory_space<vmem>> -> memref<1x200x64xf32, #tpu.memory_space<vmem>>
      %dma_wait3A_1155 = tpu.memref_squeeze %dma_wait3A_1154 : memref<1x200x64xf32, #tpu.memory_space<vmem>> -> memref<200x64xf32, #tpu.memory_space<vmem>>
      %dma_wait3A_1156 = arith.constant 0 : i32
      %dma_wait3A_1157 = arith.constant 0 : i32
      %dma_wait3A_1158 = tpu.memref_slice %arg3[%dma_wait3A_1156, %dma_wait3A_1157] : memref<1000000x64xf32, #tpu.memory_space<hbm>> -> memref<200x64xf32, #tpu.memory_space<hbm>>
      %dma_wait3A_1159 = tpu.memref_slice %arg7[%dma_wait3A_1151] : memref<8x!tpu.dma_semaphore, #tpu.memory_space<semaphore_mem>> -> memref<1x!tpu.dma_semaphore, #tpu.memory_space<semaphore_mem>>
      %dma_wait3A_1160 = tpu.memref_squeeze %dma_wait3A_1159 : memref<1x!tpu.dma_semaphore, #tpu.memory_space<semaphore_mem>> -> memref<!tpu.dma_semaphore, #tpu.memory_space<semaphore_mem>>
      %dma_wait3A_1161 = arith.constant 0 : i32
      %dma_wait3A_1162 = arith.constant 0 : i32
      %dma_wait3A_1163 = tpu.memref_slice %arg6[%dma_wait3A_1150, %dma_wait3A_1161, %dma_wait3A_1162] : memref<8x200x64xf32, #tpu.memory_space<vmem>> -> memref<1x200x64xf32, #tpu.memory_space<vmem>>
      %dma_wait3A_1164 = tpu.memref_squeeze %dma_wait3A_1163 : memref<1x200x64xf32, #tpu.memory_space<vmem>> -> memref<200x64xf32, #tpu.memory_space<vmem>>
      %dma_wait3A_1165 = arith.constant 0 : i32
      %dma_wait3A_1166 = arith.constant 0 : i32
      %dma_wait3A_1167 = tpu.memref_slice %arg3[%dma_wait3A_1165, %dma_wait3A_1166] : memref<1000000x64xf32, #tpu.memory_space<hbm>> -> memref<200x64xf32, #tpu.memory_space<hbm>>
      tpu.wait_dma2 semaphore(%dma_wait3A_1160 : memref<!tpu.dma_semaphore, #tpu.memory_space<semaphore_mem>>) src(%dma_wait3A_1167 : memref<200x64xf32, #tpu.memory_space<hbm>>) dst(%dma_wait3A_1164 : memref<200x64xf32, #tpu.memory_space<vmem>>)
      %add3A_1168 = arith.addi %mul3A_2, %add3A_1149 : i32
      %dma_start3A_1169 = arith.constant 3 : i32
      %dma_start3A_1170 = arith.constant 3 : i32
      %dma_start3A_1171 = arith.constant 0 : i32
      %dma_start3A_1172 = arith.constant 0 : i32
      %dma_start3A_1173 = tpu.memref_slice %arg6[%dma_start3A_1169, %dma_start3A_1171, %dma_start3A_1172] : memref<8x200x64xf32, #tpu.memory_space<vmem>> -> memref<1x200x64xf32, #tpu.memory_space<vmem>>
      %dma_start3A_1174 = tpu.memref_squeeze %dma_start3A_1173 : memref<1x200x64xf32, #tpu.memory_space<vmem>> -> memref<200x64xf32, #tpu.memory_space<vmem>>
      %dma_start3A_1175 = arith.constant 0 : i32
      %dma_start3A_1176 = arith.constant 0 : i32
      %dma_start3A_1177 = tpu.memref_slice %arg4[%add3A_1168, %dma_start3A_1175, %dma_start3A_1176] : memref<4096x200x64xf32, #tpu.memory_space<hbm>> -> memref<1x200x64xf32, #tpu.memory_space<hbm>>
      %dma_start3A_1178 = tpu.memref_squeeze %dma_start3A_1177 : memref<1x200x64xf32, #tpu.memory_space<hbm>> -> memref<200x64xf32, #tpu.memory_space<hbm>>
      %dma_start3A_1179 = tpu.memref_slice %arg8[%dma_start3A_1170] : memref<8x!tpu.dma_semaphore, #tpu.memory_space<semaphore_mem>> -> memref<1x!tpu.dma_semaphore, #tpu.memory_space<semaphore_mem>>
      %dma_start3A_1180 = tpu.memref_squeeze %dma_start3A_1179 : memref<1x!tpu.dma_semaphore, #tpu.memory_space<semaphore_mem>> -> memref<!tpu.dma_semaphore, #tpu.memory_space<semaphore_mem>>
      %dma_start3A_1181 = arith.constant 0 : i32
      %dma_start3A_1182 = arith.constant 0 : i32
      %dma_start3A_1183 = tpu.memref_slice %arg4[%add3A_1168, %dma_start3A_1181, %dma_start3A_1182] : memref<4096x200x64xf32, #tpu.memory_space<hbm>> -> memref<1x200x64xf32, #tpu.memory_space<hbm>>
      %dma_start3A_1184 = tpu.memref_squeeze %dma_start3A_1183 : memref<1x200x64xf32, #tpu.memory_space<hbm>> -> memref<200x64xf32, #tpu.memory_space<hbm>>
      %dma_start3A_1185 = arith.constant 0 : i32
      %dma_start3A_1186 = arith.constant 0 : i32
      %dma_start3A_1187 = tpu.memref_slice %arg6[%dma_start3A_1169, %dma_start3A_1185, %dma_start3A_1186] : memref<8x200x64xf32, #tpu.memory_space<vmem>> -> memref<1x200x64xf32, #tpu.memory_space<vmem>>
      %dma_start3A_1188 = tpu.memref_squeeze %dma_start3A_1187 : memref<1x200x64xf32, #tpu.memory_space<vmem>> -> memref<200x64xf32, #tpu.memory_space<vmem>>
      tpu.enqueue_dma source(%dma_start3A_1188 : memref<200x64xf32, #tpu.memory_space<vmem>>) target(%dma_start3A_1184 : memref<200x64xf32, #tpu.memory_space<hbm>>) target_semaphore(%dma_start3A_1180 : memref<!tpu.dma_semaphore, #tpu.memory_space<semaphore_mem>>)
      %dma_wait3A_1189 = arith.constant 7 : i32
      %dma_wait3A_1190 = arith.constant 7 : i32
      %dma_wait3A_1191 = arith.constant 0 : i32
      %dma_wait3A_1192 = arith.constant 0 : i32
      %dma_wait3A_1193 = tpu.memref_slice %arg6[%dma_wait3A_1189, %dma_wait3A_1191, %dma_wait3A_1192] : memref<8x200x64xf32, #tpu.memory_space<vmem>> -> memref<1x200x64xf32, #tpu.memory_space<vmem>>
      %dma_wait3A_1194 = tpu.memref_squeeze %dma_wait3A_1193 : memref<1x200x64xf32, #tpu.memory_space<vmem>> -> memref<200x64xf32, #tpu.memory_space<vmem>>
      %dma_wait3A_1195 = arith.constant 0 : i32
      %dma_wait3A_1196 = arith.constant 0 : i32
      %dma_wait3A_1197 = tpu.memref_slice %arg3[%dma_wait3A_1195, %dma_wait3A_1196] : memref<1000000x64xf32, #tpu.memory_space<hbm>> -> memref<200x64xf32, #tpu.memory_space<hbm>>
      %dma_wait3A_1198 = tpu.memref_slice %arg8[%dma_wait3A_1190] : memref<8x!tpu.dma_semaphore, #tpu.memory_space<semaphore_mem>> -> memref<1x!tpu.dma_semaphore, #tpu.memory_space<semaphore_mem>>
      %dma_wait3A_1199 = tpu.memref_squeeze %dma_wait3A_1198 : memref<1x!tpu.dma_semaphore, #tpu.memory_space<semaphore_mem>> -> memref<!tpu.dma_semaphore, #tpu.memory_space<semaphore_mem>>
      %dma_wait3A_1200 = arith.constant 0 : i32
      %dma_wait3A_1201 = arith.constant 0 : i32
      %dma_wait3A_1202 = tpu.memref_slice %arg6[%dma_wait3A_1189, %dma_wait3A_1200, %dma_wait3A_1201] : memref<8x200x64xf32, #tpu.memory_space<vmem>> -> memref<1x200x64xf32, #tpu.memory_space<vmem>>
      %dma_wait3A_1203 = tpu.memref_squeeze %dma_wait3A_1202 : memref<1x200x64xf32, #tpu.memory_space<vmem>> -> memref<200x64xf32, #tpu.memory_space<vmem>>
      %dma_wait3A_1204 = arith.constant 0 : i32
      %dma_wait3A_1205 = arith.constant 0 : i32
      %dma_wait3A_1206 = tpu.memref_slice %arg3[%dma_wait3A_1204, %dma_wait3A_1205] : memref<1000000x64xf32, #tpu.memory_space<hbm>> -> memref<200x64xf32, #tpu.memory_space<hbm>>
      tpu.wait_dma2 semaphore(%dma_wait3A_1199 : memref<!tpu.dma_semaphore, #tpu.memory_space<semaphore_mem>>) src(%dma_wait3A_1206 : memref<200x64xf32, #tpu.memory_space<hbm>>) dst(%dma_wait3A_1203 : memref<200x64xf32, #tpu.memory_space<vmem>>)
      %add3A_1207 = arith.constant 4 : i32
      %add3A_1208 = arith.addi %add3A_1149, %add3A_1207 : i32
      %dma_start3A_1209 = arith.constant 7 : i32
      %dma_start3A_1210 = arith.constant 7 : i32
      %dma_start3A_1211 = arith.constant 0 : i32
      %dma_start3A_1212 = arith.constant 0 : i32
      %dma_start3A_1213 = tpu.memref_slice %arg6[%dma_start3A_1209, %dma_start3A_1211, %dma_start3A_1212] : memref<8x200x64xf32, #tpu.memory_space<vmem>> -> memref<1x200x64xf32, #tpu.memory_space<vmem>>
      %dma_start3A_1214 = tpu.memref_squeeze %dma_start3A_1213 : memref<1x200x64xf32, #tpu.memory_space<vmem>> -> memref<200x64xf32, #tpu.memory_space<vmem>>
      %dma_start3A_1215 = arith.constant 0 : i32
      %dma_start3A_1216 = tpu.memref_slice %arg5[%add3A_1208, %dma_start3A_1215] : memref<128x200xi32, #tpu.memory_space<vmem>> -> memref<1x200xi32, #tpu.memory_space<vmem>>
      %dma_start3A_1217 = tpu.memref_squeeze %dma_start3A_1216 : memref<1x200xi32, #tpu.memory_space<vmem>> -> memref<200xi32, #tpu.memory_space<vmem>>
      %dma_start3A_1218 = arith.constant 0 : i32
      %dma_start3A_1219 = arith.constant 0 : i32
      %dma_start3A_1220 = tpu.memref_slice %arg3[%dma_start3A_1218, %dma_start3A_1219] : memref<1000000x64xf32, #tpu.memory_space<hbm>> -> memref<1000000x64xf32, #tpu.memory_space<hbm>>
      %dma_start3A_1221 = tpu.memref_slice %arg7[%dma_start3A_1210] : memref<8x!tpu.dma_semaphore, #tpu.memory_space<semaphore_mem>> -> memref<1x!tpu.dma_semaphore, #tpu.memory_space<semaphore_mem>>
      %dma_start3A_1222 = tpu.memref_squeeze %dma_start3A_1221 : memref<1x!tpu.dma_semaphore, #tpu.memory_space<semaphore_mem>> -> memref<!tpu.dma_semaphore, #tpu.memory_space<semaphore_mem>>
      tpu.enqueue_indirect_dma source(%dma_start3A_1220 : memref<1000000x64xf32, #tpu.memory_space<hbm>>) target(%dma_start3A_1214 : memref<200x64xf32, #tpu.memory_space<vmem>>) offsets(%dma_start3A_1217 : memref<200xi32, #tpu.memory_space<vmem>>) semaphore(%dma_start3A_1222 : memref<!tpu.dma_semaphore, #tpu.memory_space<semaphore_mem>>)
    }
    %scan3A_285 = arith.constant 15 : i32
    %dma_wait3A_286 = arith.constant 4 : i32
    %dma_wait3A_287 = arith.constant 4 : i32
    %dma_wait3A_288 = arith.constant 0 : i32
    %dma_wait3A_289 = arith.constant 0 : i32
    %dma_wait3A_290 = tpu.memref_slice %arg6[%dma_wait3A_286, %dma_wait3A_288, %dma_wait3A_289] : memref<8x200x64xf32, #tpu.memory_space<vmem>> -> memref<1x200x64xf32, #tpu.memory_space<vmem>>
    %dma_wait3A_291 = tpu.memref_squeeze %dma_wait3A_290 : memref<1x200x64xf32, #tpu.memory_space<vmem>> -> memref<200x64xf32, #tpu.memory_space<vmem>>
    %dma_wait3A_292 = arith.constant 0 : i32
    %dma_wait3A_293 = arith.constant 0 : i32
    %dma_wait3A_294 = tpu.memref_slice %arg3[%dma_wait3A_292, %dma_wait3A_293] : memref<1000000x64xf32, #tpu.memory_space<hbm>> -> memref<200x64xf32, #tpu.memory_space<hbm>>
    %dma_wait3A_295 = tpu.memref_slice %arg7[%dma_wait3A_287] : memref<8x!tpu.dma_semaphore, #tpu.memory_space<semaphore_mem>> -> memref<1x!tpu.dma_semaphore, #tpu.memory_space<semaphore_mem>>
    %dma_wait3A_296 = tpu.memref_squeeze %dma_wait3A_295 : memref<1x!tpu.dma_semaphore, #tpu.memory_space<semaphore_mem>> -> memref<!tpu.dma_semaphore, #tpu.memory_space<semaphore_mem>>
    %dma_wait3A_297 = arith.constant 0 : i32
    %dma_wait3A_298 = arith.constant 0 : i32
    %dma_wait3A_299 = tpu.memref_slice %arg6[%dma_wait3A_286, %dma_wait3A_297, %dma_wait3A_298] : memref<8x200x64xf32, #tpu.memory_space<vmem>> -> memref<1x200x64xf32, #tpu.memory_space<vmem>>
    %dma_wait3A_300 = tpu.memref_squeeze %dma_wait3A_299 : memref<1x200x64xf32, #tpu.memory_space<vmem>> -> memref<200x64xf32, #tpu.memory_space<vmem>>
    %dma_wait3A_301 = arith.constant 0 : i32
    %dma_wait3A_302 = arith.constant 0 : i32
    %dma_wait3A_303 = tpu.memref_slice %arg3[%dma_wait3A_301, %dma_wait3A_302] : memref<1000000x64xf32, #tpu.memory_space<hbm>> -> memref<200x64xf32, #tpu.memory_space<hbm>>
    tpu.wait_dma2 semaphore(%dma_wait3A_296 : memref<!tpu.dma_semaphore, #tpu.memory_space<semaphore_mem>>) src(%dma_wait3A_303 : memref<200x64xf32, #tpu.memory_space<hbm>>) dst(%dma_wait3A_300 : memref<200x64xf32, #tpu.memory_space<vmem>>)
    %add3A_304 = arith.constant 124 : i32
    %add3A_305 = arith.addi %mul3A_2, %add3A_304 : i32
    %dma_start3A_306 = arith.constant 4 : i32
    %dma_start3A_307 = arith.constant 4 : i32
    %dma_start3A_308 = arith.constant 0 : i32
    %dma_start3A_309 = arith.constant 0 : i32
    %dma_start3A_310 = tpu.memref_slice %arg6[%dma_start3A_306, %dma_start3A_308, %dma_start3A_309] : memref<8x200x64xf32, #tpu.memory_space<vmem>> -> memref<1x200x64xf32, #tpu.memory_space<vmem>>
    %dma_start3A_311 = tpu.memref_squeeze %dma_start3A_310 : memref<1x200x64xf32, #tpu.memory_space<vmem>> -> memref<200x64xf32, #tpu.memory_space<vmem>>
    %dma_start3A_312 = arith.constant 0 : i32
    %dma_start3A_313 = arith.constant 0 : i32
    %dma_start3A_314 = tpu.memref_slice %arg4[%add3A_305, %dma_start3A_312, %dma_start3A_313] : memref<4096x200x64xf32, #tpu.memory_space<hbm>> -> memref<1x200x64xf32, #tpu.memory_space<hbm>>
    %dma_start3A_315 = tpu.memref_squeeze %dma_start3A_314 : memref<1x200x64xf32, #tpu.memory_space<hbm>> -> memref<200x64xf32, #tpu.memory_space<hbm>>
    %dma_start3A_316 = tpu.memref_slice %arg8[%dma_start3A_307] : memref<8x!tpu.dma_semaphore, #tpu.memory_space<semaphore_mem>> -> memref<1x!tpu.dma_semaphore, #tpu.memory_space<semaphore_mem>>
    %dma_start3A_317 = tpu.memref_squeeze %dma_start3A_316 : memref<1x!tpu.dma_semaphore, #tpu.memory_space<semaphore_mem>> -> memref<!tpu.dma_semaphore, #tpu.memory_space<semaphore_mem>>
    %dma_start3A_318 = arith.constant 0 : i32
    %dma_start3A_319 = arith.constant 0 : i32
    %dma_start3A_320 = tpu.memref_slice %arg4[%add3A_305, %dma_start3A_318, %dma_start3A_319] : memref<4096x200x64xf32, #tpu.memory_space<hbm>> -> memref<1x200x64xf32, #tpu.memory_space<hbm>>
    %dma_start3A_321 = tpu.memref_squeeze %dma_start3A_320 : memref<1x200x64xf32, #tpu.memory_space<hbm>> -> memref<200x64xf32, #tpu.memory_space<hbm>>
    %dma_start3A_322 = arith.constant 0 : i32
    %dma_start3A_323 = arith.constant 0 : i32
    %dma_start3A_324 = tpu.memref_slice %arg6[%dma_start3A_306, %dma_start3A_322, %dma_start3A_323] : memref<8x200x64xf32, #tpu.memory_space<vmem>> -> memref<1x200x64xf32, #tpu.memory_space<vmem>>
    %dma_start3A_325 = tpu.memref_squeeze %dma_start3A_324 : memref<1x200x64xf32, #tpu.memory_space<vmem>> -> memref<200x64xf32, #tpu.memory_space<vmem>>
    tpu.enqueue_dma source(%dma_start3A_325 : memref<200x64xf32, #tpu.memory_space<vmem>>) target(%dma_start3A_321 : memref<200x64xf32, #tpu.memory_space<hbm>>) target_semaphore(%dma_start3A_317 : memref<!tpu.dma_semaphore, #tpu.memory_space<semaphore_mem>>)
    %dma_wait3A_326 = arith.constant 5 : i32
    %dma_wait3A_327 = arith.constant 5 : i32
    %dma_wait3A_328 = arith.constant 0 : i32
    %dma_wait3A_329 = arith.constant 0 : i32
    %dma_wait3A_330 = tpu.memref_slice %arg6[%dma_wait3A_326, %dma_wait3A_328, %dma_wait3A_329] : memref<8x200x64xf32, #tpu.memory_space<vmem>> -> memref<1x200x64xf32, #tpu.memory_space<vmem>>
    %dma_wait3A_331 = tpu.memref_squeeze %dma_wait3A_330 : memref<1x200x64xf32, #tpu.memory_space<vmem>> -> memref<200x64xf32, #tpu.memory_space<vmem>>
    %dma_wait3A_332 = arith.constant 0 : i32
    %dma_wait3A_333 = arith.constant 0 : i32
    %dma_wait3A_334 = tpu.memref_slice %arg3[%dma_wait3A_332, %dma_wait3A_333] : memref<1000000x64xf32, #tpu.memory_space<hbm>> -> memref<200x64xf32, #tpu.memory_space<hbm>>
    %dma_wait3A_335 = tpu.memref_slice %arg7[%dma_wait3A_327] : memref<8x!tpu.dma_semaphore, #tpu.memory_space<semaphore_mem>> -> memref<1x!tpu.dma_semaphore, #tpu.memory_space<semaphore_mem>>
    %dma_wait3A_336 = tpu.memref_squeeze %dma_wait3A_335 : memref<1x!tpu.dma_semaphore, #tpu.memory_space<semaphore_mem>> -> memref<!tpu.dma_semaphore, #tpu.memory_space<semaphore_mem>>
    %dma_wait3A_337 = arith.constant 0 : i32
    %dma_wait3A_338 = arith.constant 0 : i32
    %dma_wait3A_339 = tpu.memref_slice %arg6[%dma_wait3A_326, %dma_wait3A_337, %dma_wait3A_338] : memref<8x200x64xf32, #tpu.memory_space<vmem>> -> memref<1x200x64xf32, #tpu.memory_space<vmem>>
    %dma_wait3A_340 = tpu.memref_squeeze %dma_wait3A_339 : memref<1x200x64xf32, #tpu.memory_space<vmem>> -> memref<200x64xf32, #tpu.memory_space<vmem>>
    %dma_wait3A_341 = arith.constant 0 : i32
    %dma_wait3A_342 = arith.constant 0 : i32
    %dma_wait3A_343 = tpu.memref_slice %arg3[%dma_wait3A_341, %dma_wait3A_342] : memref<1000000x64xf32, #tpu.memory_space<hbm>> -> memref<200x64xf32, #tpu.memory_space<hbm>>
    tpu.wait_dma2 semaphore(%dma_wait3A_336 : memref<!tpu.dma_semaphore, #tpu.memory_space<semaphore_mem>>) src(%dma_wait3A_343 : memref<200x64xf32, #tpu.memory_space<hbm>>) dst(%dma_wait3A_340 : memref<200x64xf32, #tpu.memory_space<vmem>>)
    %add3A_344 = arith.constant 125 : i32
    %add3A_345 = arith.addi %mul3A_2, %add3A_344 : i32
    %dma_start3A_346 = arith.constant 5 : i32
    %dma_start3A_347 = arith.constant 5 : i32
    %dma_start3A_348 = arith.constant 0 : i32
    %dma_start3A_349 = arith.constant 0 : i32
    %dma_start3A_350 = tpu.memref_slice %arg6[%dma_start3A_346, %dma_start3A_348, %dma_start3A_349] : memref<8x200x64xf32, #tpu.memory_space<vmem>> -> memref<1x200x64xf32, #tpu.memory_space<vmem>>
    %dma_start3A_351 = tpu.memref_squeeze %dma_start3A_350 : memref<1x200x64xf32, #tpu.memory_space<vmem>> -> memref<200x64xf32, #tpu.memory_space<vmem>>
    %dma_start3A_352 = arith.constant 0 : i32
    %dma_start3A_353 = arith.constant 0 : i32
    %dma_start3A_354 = tpu.memref_slice %arg4[%add3A_345, %dma_start3A_352, %dma_start3A_353] : memref<4096x200x64xf32, #tpu.memory_space<hbm>> -> memref<1x200x64xf32, #tpu.memory_space<hbm>>
    %dma_start3A_355 = tpu.memref_squeeze %dma_start3A_354 : memref<1x200x64xf32, #tpu.memory_space<hbm>> -> memref<200x64xf32, #tpu.memory_space<hbm>>
    %dma_start3A_356 = tpu.memref_slice %arg8[%dma_start3A_347] : memref<8x!tpu.dma_semaphore, #tpu.memory_space<semaphore_mem>> -> memref<1x!tpu.dma_semaphore, #tpu.memory_space<semaphore_mem>>
    %dma_start3A_357 = tpu.memref_squeeze %dma_start3A_356 : memref<1x!tpu.dma_semaphore, #tpu.memory_space<semaphore_mem>> -> memref<!tpu.dma_semaphore, #tpu.memory_space<semaphore_mem>>
    %dma_start3A_358 = arith.constant 0 : i32
    %dma_start3A_359 = arith.constant 0 : i32
    %dma_start3A_360 = tpu.memref_slice %arg4[%add3A_345, %dma_start3A_358, %dma_start3A_359] : memref<4096x200x64xf32, #tpu.memory_space<hbm>> -> memref<1x200x64xf32, #tpu.memory_space<hbm>>
    %dma_start3A_361 = tpu.memref_squeeze %dma_start3A_360 : memref<1x200x64xf32, #tpu.memory_space<hbm>> -> memref<200x64xf32, #tpu.memory_space<hbm>>
    %dma_start3A_362 = arith.constant 0 : i32
    %dma_start3A_363 = arith.constant 0 : i32
    %dma_start3A_364 = tpu.memref_slice %arg6[%dma_start3A_346, %dma_start3A_362, %dma_start3A_363] : memref<8x200x64xf32, #tpu.memory_space<vmem>> -> memref<1x200x64xf32, #tpu.memory_space<vmem>>
    %dma_start3A_365 = tpu.memref_squeeze %dma_start3A_364 : memref<1x200x64xf32, #tpu.memory_space<vmem>> -> memref<200x64xf32, #tpu.memory_space<vmem>>
    tpu.enqueue_dma source(%dma_start3A_365 : memref<200x64xf32, #tpu.memory_space<vmem>>) target(%dma_start3A_361 : memref<200x64xf32, #tpu.memory_space<hbm>>) target_semaphore(%dma_start3A_357 : memref<!tpu.dma_semaphore, #tpu.memory_space<semaphore_mem>>)
    %dma_wait3A_366 = arith.constant 6 : i32
    %dma_wait3A_367 = arith.constant 6 : i32
    %dma_wait3A_368 = arith.constant 0 : i32
    %dma_wait3A_369 = arith.constant 0 : i32
    %dma_wait3A_370 = tpu.memref_slice %arg6[%dma_wait3A_366, %dma_wait3A_368, %dma_wait3A_369] : memref<8x200x64xf32, #tpu.memory_space<vmem>> -> memref<1x200x64xf32, #tpu.memory_space<vmem>>
    %dma_wait3A_371 = tpu.memref_squeeze %dma_wait3A_370 : memref<1x200x64xf32, #tpu.memory_space<vmem>> -> memref<200x64xf32, #tpu.memory_space<vmem>>
    %dma_wait3A_372 = arith.constant 0 : i32
    %dma_wait3A_373 = arith.constant 0 : i32
    %dma_wait3A_374 = tpu.memref_slice %arg3[%dma_wait3A_372, %dma_wait3A_373] : memref<1000000x64xf32, #tpu.memory_space<hbm>> -> memref<200x64xf32, #tpu.memory_space<hbm>>
    %dma_wait3A_375 = tpu.memref_slice %arg7[%dma_wait3A_367] : memref<8x!tpu.dma_semaphore, #tpu.memory_space<semaphore_mem>> -> memref<1x!tpu.dma_semaphore, #tpu.memory_space<semaphore_mem>>
    %dma_wait3A_376 = tpu.memref_squeeze %dma_wait3A_375 : memref<1x!tpu.dma_semaphore, #tpu.memory_space<semaphore_mem>> -> memref<!tpu.dma_semaphore, #tpu.memory_space<semaphore_mem>>
    %dma_wait3A_377 = arith.constant 0 : i32
    %dma_wait3A_378 = arith.constant 0 : i32
    %dma_wait3A_379 = tpu.memref_slice %arg6[%dma_wait3A_366, %dma_wait3A_377, %dma_wait3A_378] : memref<8x200x64xf32, #tpu.memory_space<vmem>> -> memref<1x200x64xf32, #tpu.memory_space<vmem>>
    %dma_wait3A_380 = tpu.memref_squeeze %dma_wait3A_379 : memref<1x200x64xf32, #tpu.memory_space<vmem>> -> memref<200x64xf32, #tpu.memory_space<vmem>>
    %dma_wait3A_381 = arith.constant 0 : i32
    %dma_wait3A_382 = arith.constant 0 : i32
    %dma_wait3A_383 = tpu.memref_slice %arg3[%dma_wait3A_381, %dma_wait3A_382] : memref<1000000x64xf32, #tpu.memory_space<hbm>> -> memref<200x64xf32, #tpu.memory_space<hbm>>
    tpu.wait_dma2 semaphore(%dma_wait3A_376 : memref<!tpu.dma_semaphore, #tpu.memory_space<semaphore_mem>>) src(%dma_wait3A_383 : memref<200x64xf32, #tpu.memory_space<hbm>>) dst(%dma_wait3A_380 : memref<200x64xf32, #tpu.memory_space<vmem>>)
    %add3A_384 = arith.constant 126 : i32
    %add3A_385 = arith.addi %mul3A_2, %add3A_384 : i32
    %dma_start3A_386 = arith.constant 6 : i32
    %dma_start3A_387 = arith.constant 6 : i32
    %dma_start3A_388 = arith.constant 0 : i32
    %dma_start3A_389 = arith.constant 0 : i32
    %dma_start3A_390 = tpu.memref_slice %arg6[%dma_start3A_386, %dma_start3A_388, %dma_start3A_389] : memref<8x200x64xf32, #tpu.memory_space<vmem>> -> memref<1x200x64xf32, #tpu.memory_space<vmem>>
    %dma_start3A_391 = tpu.memref_squeeze %dma_start3A_390 : memref<1x200x64xf32, #tpu.memory_space<vmem>> -> memref<200x64xf32, #tpu.memory_space<vmem>>
    %dma_start3A_392 = arith.constant 0 : i32
    %dma_start3A_393 = arith.constant 0 : i32
    %dma_start3A_394 = tpu.memref_slice %arg4[%add3A_385, %dma_start3A_392, %dma_start3A_393] : memref<4096x200x64xf32, #tpu.memory_space<hbm>> -> memref<1x200x64xf32, #tpu.memory_space<hbm>>
    %dma_start3A_395 = tpu.memref_squeeze %dma_start3A_394 : memref<1x200x64xf32, #tpu.memory_space<hbm>> -> memref<200x64xf32, #tpu.memory_space<hbm>>
    %dma_start3A_396 = tpu.memref_slice %arg8[%dma_start3A_387] : memref<8x!tpu.dma_semaphore, #tpu.memory_space<semaphore_mem>> -> memref<1x!tpu.dma_semaphore, #tpu.memory_space<semaphore_mem>>
    %dma_start3A_397 = tpu.memref_squeeze %dma_start3A_396 : memref<1x!tpu.dma_semaphore, #tpu.memory_space<semaphore_mem>> -> memref<!tpu.dma_semaphore, #tpu.memory_space<semaphore_mem>>
    %dma_start3A_398 = arith.constant 0 : i32
    %dma_start3A_399 = arith.constant 0 : i32
    %dma_start3A_400 = tpu.memref_slice %arg4[%add3A_385, %dma_start3A_398, %dma_start3A_399] : memref<4096x200x64xf32, #tpu.memory_space<hbm>> -> memref<1x200x64xf32, #tpu.memory_space<hbm>>
    %dma_start3A_401 = tpu.memref_squeeze %dma_start3A_400 : memref<1x200x64xf32, #tpu.memory_space<hbm>> -> memref<200x64xf32, #tpu.memory_space<hbm>>
    %dma_start3A_402 = arith.constant 0 : i32
    %dma_start3A_403 = arith.constant 0 : i32
    %dma_start3A_404 = tpu.memref_slice %arg6[%dma_start3A_386, %dma_start3A_402, %dma_start3A_403] : memref<8x200x64xf32, #tpu.memory_space<vmem>> -> memref<1x200x64xf32, #tpu.memory_space<vmem>>
    %dma_start3A_405 = tpu.memref_squeeze %dma_start3A_404 : memref<1x200x64xf32, #tpu.memory_space<vmem>> -> memref<200x64xf32, #tpu.memory_space<vmem>>
    tpu.enqueue_dma source(%dma_start3A_405 : memref<200x64xf32, #tpu.memory_space<vmem>>) target(%dma_start3A_401 : memref<200x64xf32, #tpu.memory_space<hbm>>) target_semaphore(%dma_start3A_397 : memref<!tpu.dma_semaphore, #tpu.memory_space<semaphore_mem>>)
    %dma_wait3A_406 = arith.constant 7 : i32
    %dma_wait3A_407 = arith.constant 7 : i32
    %dma_wait3A_408 = arith.constant 0 : i32
    %dma_wait3A_409 = arith.constant 0 : i32
    %dma_wait3A_410 = tpu.memref_slice %arg6[%dma_wait3A_406, %dma_wait3A_408, %dma_wait3A_409] : memref<8x200x64xf32, #tpu.memory_space<vmem>> -> memref<1x200x64xf32, #tpu.memory_space<vmem>>
    %dma_wait3A_411 = tpu.memref_squeeze %dma_wait3A_410 : memref<1x200x64xf32, #tpu.memory_space<vmem>> -> memref<200x64xf32, #tpu.memory_space<vmem>>
    %dma_wait3A_412 = arith.constant 0 : i32
    %dma_wait3A_413 = arith.constant 0 : i32
    %dma_wait3A_414 = tpu.memref_slice %arg3[%dma_wait3A_412, %dma_wait3A_413] : memref<1000000x64xf32, #tpu.memory_space<hbm>> -> memref<200x64xf32, #tpu.memory_space<hbm>>
    %dma_wait3A_415 = tpu.memref_slice %arg7[%dma_wait3A_407] : memref<8x!tpu.dma_semaphore, #tpu.memory_space<semaphore_mem>> -> memref<1x!tpu.dma_semaphore, #tpu.memory_space<semaphore_mem>>
    %dma_wait3A_416 = tpu.memref_squeeze %dma_wait3A_415 : memref<1x!tpu.dma_semaphore, #tpu.memory_space<semaphore_mem>> -> memref<!tpu.dma_semaphore, #tpu.memory_space<semaphore_mem>>
    %dma_wait3A_417 = arith.constant 0 : i32
    %dma_wait3A_418 = arith.constant 0 : i32
    %dma_wait3A_419 = tpu.memref_slice %arg6[%dma_wait3A_406, %dma_wait3A_417, %dma_wait3A_418] : memref<8x200x64xf32, #tpu.memory_space<vmem>> -> memref<1x200x64xf32, #tpu.memory_space<vmem>>
    %dma_wait3A_420 = tpu.memref_squeeze %dma_wait3A_419 : memref<1x200x64xf32, #tpu.memory_space<vmem>> -> memref<200x64xf32, #tpu.memory_space<vmem>>
    %dma_wait3A_421 = arith.constant 0 : i32
    %dma_wait3A_422 = arith.constant 0 : i32
    %dma_wait3A_423 = tpu.memref_slice %arg3[%dma_wait3A_421, %dma_wait3A_422] : memref<1000000x64xf32, #tpu.memory_space<hbm>> -> memref<200x64xf32, #tpu.memory_space<hbm>>
    tpu.wait_dma2 semaphore(%dma_wait3A_416 : memref<!tpu.dma_semaphore, #tpu.memory_space<semaphore_mem>>) src(%dma_wait3A_423 : memref<200x64xf32, #tpu.memory_space<hbm>>) dst(%dma_wait3A_420 : memref<200x64xf32, #tpu.memory_space<vmem>>)
    %add3A_424 = arith.constant 127 : i32
    %add3A_425 = arith.addi %mul3A_2, %add3A_424 : i32
    %dma_start3A_426 = arith.constant 7 : i32
    %dma_start3A_427 = arith.constant 7 : i32
    %dma_start3A_428 = arith.constant 0 : i32
    %dma_start3A_429 = arith.constant 0 : i32
    %dma_start3A_430 = tpu.memref_slice %arg6[%dma_start3A_426, %dma_start3A_428, %dma_start3A_429] : memref<8x200x64xf32, #tpu.memory_space<vmem>> -> memref<1x200x64xf32, #tpu.memory_space<vmem>>
    %dma_start3A_431 = tpu.memref_squeeze %dma_start3A_430 : memref<1x200x64xf32, #tpu.memory_space<vmem>> -> memref<200x64xf32, #tpu.memory_space<vmem>>
    %dma_start3A_432 = arith.constant 0 : i32
    %dma_start3A_433 = arith.constant 0 : i32
    %dma_start3A_434 = tpu.memref_slice %arg4[%add3A_425, %dma_start3A_432, %dma_start3A_433] : memref<4096x200x64xf32, #tpu.memory_space<hbm>> -> memref<1x200x64xf32, #tpu.memory_space<hbm>>
    %dma_start3A_435 = tpu.memref_squeeze %dma_start3A_434 : memref<1x200x64xf32, #tpu.memory_space<hbm>> -> memref<200x64xf32, #tpu.memory_space<hbm>>
    %dma_start3A_436 = tpu.memref_slice %arg8[%dma_start3A_427] : memref<8x!tpu.dma_semaphore, #tpu.memory_space<semaphore_mem>> -> memref<1x!tpu.dma_semaphore, #tpu.memory_space<semaphore_mem>>
    %dma_start3A_437 = tpu.memref_squeeze %dma_start3A_436 : memref<1x!tpu.dma_semaphore, #tpu.memory_space<semaphore_mem>> -> memref<!tpu.dma_semaphore, #tpu.memory_space<semaphore_mem>>
    %dma_start3A_438 = arith.constant 0 : i32
    %dma_start3A_439 = arith.constant 0 : i32
    %dma_start3A_440 = tpu.memref_slice %arg4[%add3A_425, %dma_start3A_438, %dma_start3A_439] : memref<4096x200x64xf32, #tpu.memory_space<hbm>> -> memref<1x200x64xf32, #tpu.memory_space<hbm>>
    %dma_start3A_441 = tpu.memref_squeeze %dma_start3A_440 : memref<1x200x64xf32, #tpu.memory_space<hbm>> -> memref<200x64xf32, #tpu.memory_space<hbm>>
    %dma_start3A_442 = arith.constant 0 : i32
    %dma_start3A_443 = arith.constant 0 : i32
    %dma_start3A_444 = tpu.memref_slice %arg6[%dma_start3A_426, %dma_start3A_442, %dma_start3A_443] : memref<8x200x64xf32, #tpu.memory_space<vmem>> -> memref<1x200x64xf32, #tpu.memory_space<vmem>>
    %dma_start3A_445 = tpu.memref_squeeze %dma_start3A_444 : memref<1x200x64xf32, #tpu.memory_space<vmem>> -> memref<200x64xf32, #tpu.memory_space<vmem>>
    tpu.enqueue_dma source(%dma_start3A_445 : memref<200x64xf32, #tpu.memory_space<vmem>>) target(%dma_start3A_441 : memref<200x64xf32, #tpu.memory_space<hbm>>) target_semaphore(%dma_start3A_437 : memref<!tpu.dma_semaphore, #tpu.memory_space<semaphore_mem>>)
    %dma_wait3A_446 = arith.constant 0 : i32
    %dma_wait3A_447 = arith.constant 0 : i32
    %dma_wait3A_448 = arith.constant 0 : i32
    %dma_wait3A_449 = arith.constant 0 : i32
    %dma_wait3A_450 = tpu.memref_slice %arg6[%dma_wait3A_446, %dma_wait3A_448, %dma_wait3A_449] : memref<8x200x64xf32, #tpu.memory_space<vmem>> -> memref<1x200x64xf32, #tpu.memory_space<vmem>>
    %dma_wait3A_451 = tpu.memref_squeeze %dma_wait3A_450 : memref<1x200x64xf32, #tpu.memory_space<vmem>> -> memref<200x64xf32, #tpu.memory_space<vmem>>
    %dma_wait3A_452 = arith.constant 0 : i32
    %dma_wait3A_453 = arith.constant 0 : i32
    %dma_wait3A_454 = tpu.memref_slice %arg3[%dma_wait3A_452, %dma_wait3A_453] : memref<1000000x64xf32, #tpu.memory_space<hbm>> -> memref<200x64xf32, #tpu.memory_space<hbm>>
    %dma_wait3A_455 = tpu.memref_slice %arg8[%dma_wait3A_447] : memref<8x!tpu.dma_semaphore, #tpu.memory_space<semaphore_mem>> -> memref<1x!tpu.dma_semaphore, #tpu.memory_space<semaphore_mem>>
    %dma_wait3A_456 = tpu.memref_squeeze %dma_wait3A_455 : memref<1x!tpu.dma_semaphore, #tpu.memory_space<semaphore_mem>> -> memref<!tpu.dma_semaphore, #tpu.memory_space<semaphore_mem>>
    %dma_wait3A_457 = arith.constant 0 : i32
    %dma_wait3A_458 = arith.constant 0 : i32
    %dma_wait3A_459 = tpu.memref_slice %arg6[%dma_wait3A_446, %dma_wait3A_457, %dma_wait3A_458] : memref<8x200x64xf32, #tpu.memory_space<vmem>> -> memref<1x200x64xf32, #tpu.memory_space<vmem>>
    %dma_wait3A_460 = tpu.memref_squeeze %dma_wait3A_459 : memref<1x200x64xf32, #tpu.memory_space<vmem>> -> memref<200x64xf32, #tpu.memory_space<vmem>>
    %dma_wait3A_461 = arith.constant 0 : i32
    %dma_wait3A_462 = arith.constant 0 : i32
    %dma_wait3A_463 = tpu.memref_slice %arg3[%dma_wait3A_461, %dma_wait3A_462] : memref<1000000x64xf32, #tpu.memory_space<hbm>> -> memref<200x64xf32, #tpu.memory_space<hbm>>
    tpu.wait_dma2 semaphore(%dma_wait3A_456 : memref<!tpu.dma_semaphore, #tpu.memory_space<semaphore_mem>>) src(%dma_wait3A_463 : memref<200x64xf32, #tpu.memory_space<hbm>>) dst(%dma_wait3A_460 : memref<200x64xf32, #tpu.memory_space<vmem>>)
    %dma_wait3A_464 = arith.constant 1 : i32
    %dma_wait3A_465 = arith.constant 1 : i32
    %dma_wait3A_466 = arith.constant 0 : i32
    %dma_wait3A_467 = arith.constant 0 : i32
    %dma_wait3A_468 = tpu.memref_slice %arg6[%dma_wait3A_464, %dma_wait3A_466, %dma_wait3A_467] : memref<8x200x64xf32, #tpu.memory_space<vmem>> -> memref<1x200x64xf32, #tpu.memory_space<vmem>>
    %dma_wait3A_469 = tpu.memref_squeeze %dma_wait3A_468 : memref<1x200x64xf32, #tpu.memory_space<vmem>> -> memref<200x64xf32, #tpu.memory_space<vmem>>
    %dma_wait3A_470 = arith.constant 0 : i32
    %dma_wait3A_471 = arith.constant 0 : i32
    %dma_wait3A_472 = tpu.memref_slice %arg3[%dma_wait3A_470, %dma_wait3A_471] : memref<1000000x64xf32, #tpu.memory_space<hbm>> -> memref<200x64xf32, #tpu.memory_space<hbm>>
    %dma_wait3A_473 = tpu.memref_slice %arg8[%dma_wait3A_465] : memref<8x!tpu.dma_semaphore, #tpu.memory_space<semaphore_mem>> -> memref<1x!tpu.dma_semaphore, #tpu.memory_space<semaphore_mem>>
    %dma_wait3A_474 = tpu.memref_squeeze %dma_wait3A_473 : memref<1x!tpu.dma_semaphore, #tpu.memory_space<semaphore_mem>> -> memref<!tpu.dma_semaphore, #tpu.memory_space<semaphore_mem>>
    %dma_wait3A_475 = arith.constant 0 : i32
    %dma_wait3A_476 = arith.constant 0 : i32
    %dma_wait3A_477 = tpu.memref_slice %arg6[%dma_wait3A_464, %dma_wait3A_475, %dma_wait3A_476] : memref<8x200x64xf32, #tpu.memory_space<vmem>> -> memref<1x200x64xf32, #tpu.memory_space<vmem>>
    %dma_wait3A_478 = tpu.memref_squeeze %dma_wait3A_477 : memref<1x200x64xf32, #tpu.memory_space<vmem>> -> memref<200x64xf32, #tpu.memory_space<vmem>>
    %dma_wait3A_479 = arith.constant 0 : i32
    %dma_wait3A_480 = arith.constant 0 : i32
    %dma_wait3A_481 = tpu.memref_slice %arg3[%dma_wait3A_479, %dma_wait3A_480] : memref<1000000x64xf32, #tpu.memory_space<hbm>> -> memref<200x64xf32, #tpu.memory_space<hbm>>
    tpu.wait_dma2 semaphore(%dma_wait3A_474 : memref<!tpu.dma_semaphore, #tpu.memory_space<semaphore_mem>>) src(%dma_wait3A_481 : memref<200x64xf32, #tpu.memory_space<hbm>>) dst(%dma_wait3A_478 : memref<200x64xf32, #tpu.memory_space<vmem>>)
    %dma_wait3A_482 = arith.constant 2 : i32
    %dma_wait3A_483 = arith.constant 2 : i32
    %dma_wait3A_484 = arith.constant 0 : i32
    %dma_wait3A_485 = arith.constant 0 : i32
    %dma_wait3A_486 = tpu.memref_slice %arg6[%dma_wait3A_482, %dma_wait3A_484, %dma_wait3A_485] : memref<8x200x64xf32, #tpu.memory_space<vmem>> -> memref<1x200x64xf32, #tpu.memory_space<vmem>>
    %dma_wait3A_487 = tpu.memref_squeeze %dma_wait3A_486 : memref<1x200x64xf32, #tpu.memory_space<vmem>> -> memref<200x64xf32, #tpu.memory_space<vmem>>
    %dma_wait3A_488 = arith.constant 0 : i32
    %dma_wait3A_489 = arith.constant 0 : i32
    %dma_wait3A_490 = tpu.memref_slice %arg3[%dma_wait3A_488, %dma_wait3A_489] : memref<1000000x64xf32, #tpu.memory_space<hbm>> -> memref<200x64xf32, #tpu.memory_space<hbm>>
    %dma_wait3A_491 = tpu.memref_slice %arg8[%dma_wait3A_483] : memref<8x!tpu.dma_semaphore, #tpu.memory_space<semaphore_mem>> -> memref<1x!tpu.dma_semaphore, #tpu.memory_space<semaphore_mem>>
    %dma_wait3A_492 = tpu.memref_squeeze %dma_wait3A_491 : memref<1x!tpu.dma_semaphore, #tpu.memory_space<semaphore_mem>> -> memref<!tpu.dma_semaphore, #tpu.memory_space<semaphore_mem>>
    %dma_wait3A_493 = arith.constant 0 : i32
    %dma_wait3A_494 = arith.constant 0 : i32
    %dma_wait3A_495 = tpu.memref_slice %arg6[%dma_wait3A_482, %dma_wait3A_493, %dma_wait3A_494] : memref<8x200x64xf32, #tpu.memory_space<vmem>> -> memref<1x200x64xf32, #tpu.memory_space<vmem>>
    %dma_wait3A_496 = tpu.memref_squeeze %dma_wait3A_495 : memref<1x200x64xf32, #tpu.memory_space<vmem>> -> memref<200x64xf32, #tpu.memory_space<vmem>>
    %dma_wait3A_497 = arith.constant 0 : i32
    %dma_wait3A_498 = arith.constant 0 : i32
    %dma_wait3A_499 = tpu.memref_slice %arg3[%dma_wait3A_497, %dma_wait3A_498] : memref<1000000x64xf32, #tpu.memory_space<hbm>> -> memref<200x64xf32, #tpu.memory_space<hbm>>
    tpu.wait_dma2 semaphore(%dma_wait3A_492 : memref<!tpu.dma_semaphore, #tpu.memory_space<semaphore_mem>>) src(%dma_wait3A_499 : memref<200x64xf32, #tpu.memory_space<hbm>>) dst(%dma_wait3A_496 : memref<200x64xf32, #tpu.memory_space<vmem>>)
    %dma_wait3A_500 = arith.constant 3 : i32
    %dma_wait3A_501 = arith.constant 3 : i32
    %dma_wait3A_502 = arith.constant 0 : i32
    %dma_wait3A_503 = arith.constant 0 : i32
    %dma_wait3A_504 = tpu.memref_slice %arg6[%dma_wait3A_500, %dma_wait3A_502, %dma_wait3A_503] : memref<8x200x64xf32, #tpu.memory_space<vmem>> -> memref<1x200x64xf32, #tpu.memory_space<vmem>>
    %dma_wait3A_505 = tpu.memref_squeeze %dma_wait3A_504 : memref<1x200x64xf32, #tpu.memory_space<vmem>> -> memref<200x64xf32, #tpu.memory_space<vmem>>
    %dma_wait3A_506 = arith.constant 0 : i32
    %dma_wait3A_507 = arith.constant 0 : i32
    %dma_wait3A_508 = tpu.memref_slice %arg3[%dma_wait3A_506, %dma_wait3A_507] : memref<1000000x64xf32, #tpu.memory_space<hbm>> -> memref<200x64xf32, #tpu.memory_space<hbm>>
    %dma_wait3A_509 = tpu.memref_slice %arg8[%dma_wait3A_501] : memref<8x!tpu.dma_semaphore, #tpu.memory_space<semaphore_mem>> -> memref<1x!tpu.dma_semaphore, #tpu.memory_space<semaphore_mem>>
    %dma_wait3A_510 = tpu.memref_squeeze %dma_wait3A_509 : memref<1x!tpu.dma_semaphore, #tpu.memory_space<semaphore_mem>> -> memref<!tpu.dma_semaphore, #tpu.memory_space<semaphore_mem>>
    %dma_wait3A_511 = arith.constant 0 : i32
    %dma_wait3A_512 = arith.constant 0 : i32
    %dma_wait3A_513 = tpu.memref_slice %arg6[%dma_wait3A_500, %dma_wait3A_511, %dma_wait3A_512] : memref<8x200x64xf32, #tpu.memory_space<vmem>> -> memref<1x200x64xf32, #tpu.memory_space<vmem>>
    %dma_wait3A_514 = tpu.memref_squeeze %dma_wait3A_513 : memref<1x200x64xf32, #tpu.memory_space<vmem>> -> memref<200x64xf32, #tpu.memory_space<vmem>>
    %dma_wait3A_515 = arith.constant 0 : i32
    %dma_wait3A_516 = arith.constant 0 : i32
    %dma_wait3A_517 = tpu.memref_slice %arg3[%dma_wait3A_515, %dma_wait3A_516] : memref<1000000x64xf32, #tpu.memory_space<hbm>> -> memref<200x64xf32, #tpu.memory_space<hbm>>
    tpu.wait_dma2 semaphore(%dma_wait3A_510 : memref<!tpu.dma_semaphore, #tpu.memory_space<semaphore_mem>>) src(%dma_wait3A_517 : memref<200x64xf32, #tpu.memory_space<hbm>>) dst(%dma_wait3A_514 : memref<200x64xf32, #tpu.memory_space<vmem>>)
    %dma_wait3A_518 = arith.constant 4 : i32
    %dma_wait3A_519 = arith.constant 4 : i32
    %dma_wait3A_520 = arith.constant 0 : i32
    %dma_wait3A_521 = arith.constant 0 : i32
    %dma_wait3A_522 = tpu.memref_slice %arg6[%dma_wait3A_518, %dma_wait3A_520, %dma_wait3A_521] : memref<8x200x64xf32, #tpu.memory_space<vmem>> -> memref<1x200x64xf32, #tpu.memory_space<vmem>>
    %dma_wait3A_523 = tpu.memref_squeeze %dma_wait3A_522 : memref<1x200x64xf32, #tpu.memory_space<vmem>> -> memref<200x64xf32, #tpu.memory_space<vmem>>
    %dma_wait3A_524 = arith.constant 0 : i32
    %dma_wait3A_525 = arith.constant 0 : i32
    %dma_wait3A_526 = tpu.memref_slice %arg3[%dma_wait3A_524, %dma_wait3A_525] : memref<1000000x64xf32, #tpu.memory_space<hbm>> -> memref<200x64xf32, #tpu.memory_space<hbm>>
    %dma_wait3A_527 = tpu.memref_slice %arg8[%dma_wait3A_519] : memref<8x!tpu.dma_semaphore, #tpu.memory_space<semaphore_mem>> -> memref<1x!tpu.dma_semaphore, #tpu.memory_space<semaphore_mem>>
    %dma_wait3A_528 = tpu.memref_squeeze %dma_wait3A_527 : memref<1x!tpu.dma_semaphore, #tpu.memory_space<semaphore_mem>> -> memref<!tpu.dma_semaphore, #tpu.memory_space<semaphore_mem>>
    %dma_wait3A_529 = arith.constant 0 : i32
    %dma_wait3A_530 = arith.constant 0 : i32
    %dma_wait3A_531 = tpu.memref_slice %arg6[%dma_wait3A_518, %dma_wait3A_529, %dma_wait3A_530] : memref<8x200x64xf32, #tpu.memory_space<vmem>> -> memref<1x200x64xf32, #tpu.memory_space<vmem>>
    %dma_wait3A_532 = tpu.memref_squeeze %dma_wait3A_531 : memref<1x200x64xf32, #tpu.memory_space<vmem>> -> memref<200x64xf32, #tpu.memory_space<vmem>>
    %dma_wait3A_533 = arith.constant 0 : i32
    %dma_wait3A_534 = arith.constant 0 : i32
    %dma_wait3A_535 = tpu.memref_slice %arg3[%dma_wait3A_533, %dma_wait3A_534] : memref<1000000x64xf32, #tpu.memory_space<hbm>> -> memref<200x64xf32, #tpu.memory_space<hbm>>
    tpu.wait_dma2 semaphore(%dma_wait3A_528 : memref<!tpu.dma_semaphore, #tpu.memory_space<semaphore_mem>>) src(%dma_wait3A_535 : memref<200x64xf32, #tpu.memory_space<hbm>>) dst(%dma_wait3A_532 : memref<200x64xf32, #tpu.memory_space<vmem>>)
    %dma_wait3A_536 = arith.constant 5 : i32
    %dma_wait3A_537 = arith.constant 5 : i32
    %dma_wait3A_538 = arith.constant 0 : i32
    %dma_wait3A_539 = arith.constant 0 : i32
    %dma_wait3A_540 = tpu.memref_slice %arg6[%dma_wait3A_536, %dma_wait3A_538, %dma_wait3A_539] : memref<8x200x64xf32, #tpu.memory_space<vmem>> -> memref<1x200x64xf32, #tpu.memory_space<vmem>>
    %dma_wait3A_541 = tpu.memref_squeeze %dma_wait3A_540 : memref<1x200x64xf32, #tpu.memory_space<vmem>> -> memref<200x64xf32, #tpu.memory_space<vmem>>
    %dma_wait3A_542 = arith.constant 0 : i32
    %dma_wait3A_543 = arith.constant 0 : i32
    %dma_wait3A_544 = tpu.memref_slice %arg3[%dma_wait3A_542, %dma_wait3A_543] : memref<1000000x64xf32, #tpu.memory_space<hbm>> -> memref<200x64xf32, #tpu.memory_space<hbm>>
    %dma_wait3A_545 = tpu.memref_slice %arg8[%dma_wait3A_537] : memref<8x!tpu.dma_semaphore, #tpu.memory_space<semaphore_mem>> -> memref<1x!tpu.dma_semaphore, #tpu.memory_space<semaphore_mem>>
    %dma_wait3A_546 = tpu.memref_squeeze %dma_wait3A_545 : memref<1x!tpu.dma_semaphore, #tpu.memory_space<semaphore_mem>> -> memref<!tpu.dma_semaphore, #tpu.memory_space<semaphore_mem>>
    %dma_wait3A_547 = arith.constant 0 : i32
    %dma_wait3A_548 = arith.constant 0 : i32
    %dma_wait3A_549 = tpu.memref_slice %arg6[%dma_wait3A_536, %dma_wait3A_547, %dma_wait3A_548] : memref<8x200x64xf32, #tpu.memory_space<vmem>> -> memref<1x200x64xf32, #tpu.memory_space<vmem>>
    %dma_wait3A_550 = tpu.memref_squeeze %dma_wait3A_549 : memref<1x200x64xf32, #tpu.memory_space<vmem>> -> memref<200x64xf32, #tpu.memory_space<vmem>>
    %dma_wait3A_551 = arith.constant 0 : i32
    %dma_wait3A_552 = arith.constant 0 : i32
    %dma_wait3A_553 = tpu.memref_slice %arg3[%dma_wait3A_551, %dma_wait3A_552] : memref<1000000x64xf32, #tpu.memory_space<hbm>> -> memref<200x64xf32, #tpu.memory_space<hbm>>
    tpu.wait_dma2 semaphore(%dma_wait3A_546 : memref<!tpu.dma_semaphore, #tpu.memory_space<semaphore_mem>>) src(%dma_wait3A_553 : memref<200x64xf32, #tpu.memory_space<hbm>>) dst(%dma_wait3A_550 : memref<200x64xf32, #tpu.memory_space<vmem>>)
    %dma_wait3A_554 = arith.constant 6 : i32
    %dma_wait3A_555 = arith.constant 6 : i32
    %dma_wait3A_556 = arith.constant 0 : i32
    %dma_wait3A_557 = arith.constant 0 : i32
    %dma_wait3A_558 = tpu.memref_slice %arg6[%dma_wait3A_554, %dma_wait3A_556, %dma_wait3A_557] : memref<8x200x64xf32, #tpu.memory_space<vmem>> -> memref<1x200x64xf32, #tpu.memory_space<vmem>>
    %dma_wait3A_559 = tpu.memref_squeeze %dma_wait3A_558 : memref<1x200x64xf32, #tpu.memory_space<vmem>> -> memref<200x64xf32, #tpu.memory_space<vmem>>
    %dma_wait3A_560 = arith.constant 0 : i32
    %dma_wait3A_561 = arith.constant 0 : i32
    %dma_wait3A_562 = tpu.memref_slice %arg3[%dma_wait3A_560, %dma_wait3A_561] : memref<1000000x64xf32, #tpu.memory_space<hbm>> -> memref<200x64xf32, #tpu.memory_space<hbm>>
    %dma_wait3A_563 = tpu.memref_slice %arg8[%dma_wait3A_555] : memref<8x!tpu.dma_semaphore, #tpu.memory_space<semaphore_mem>> -> memref<1x!tpu.dma_semaphore, #tpu.memory_space<semaphore_mem>>
    %dma_wait3A_564 = tpu.memref_squeeze %dma_wait3A_563 : memref<1x!tpu.dma_semaphore, #tpu.memory_space<semaphore_mem>> -> memref<!tpu.dma_semaphore, #tpu.memory_space<semaphore_mem>>
    %dma_wait3A_565 = arith.constant 0 : i32
    %dma_wait3A_566 = arith.constant 0 : i32
    %dma_wait3A_567 = tpu.memref_slice %arg6[%dma_wait3A_554, %dma_wait3A_565, %dma_wait3A_566] : memref<8x200x64xf32, #tpu.memory_space<vmem>> -> memref<1x200x64xf32, #tpu.memory_space<vmem>>
    %dma_wait3A_568 = tpu.memref_squeeze %dma_wait3A_567 : memref<1x200x64xf32, #tpu.memory_space<vmem>> -> memref<200x64xf32, #tpu.memory_space<vmem>>
    %dma_wait3A_569 = arith.constant 0 : i32
    %dma_wait3A_570 = arith.constant 0 : i32
    %dma_wait3A_571 = tpu.memref_slice %arg3[%dma_wait3A_569, %dma_wait3A_570] : memref<1000000x64xf32, #tpu.memory_space<hbm>> -> memref<200x64xf32, #tpu.memory_space<hbm>>
    tpu.wait_dma2 semaphore(%dma_wait3A_564 : memref<!tpu.dma_semaphore, #tpu.memory_space<semaphore_mem>>) src(%dma_wait3A_571 : memref<200x64xf32, #tpu.memory_space<hbm>>) dst(%dma_wait3A_568 : memref<200x64xf32, #tpu.memory_space<vmem>>)
    %dma_wait3A_572 = arith.constant 7 : i32
    %dma_wait3A_573 = arith.constant 7 : i32
    %dma_wait3A_574 = arith.constant 0 : i32
    %dma_wait3A_575 = arith.constant 0 : i32
    %dma_wait3A_576 = tpu.memref_slice %arg6[%dma_wait3A_572, %dma_wait3A_574, %dma_wait3A_575] : memref<8x200x64xf32, #tpu.memory_space<vmem>> -> memref<1x200x64xf32, #tpu.memory_space<vmem>>
    %dma_wait3A_577 = tpu.memref_squeeze %dma_wait3A_576 : memref<1x200x64xf32, #tpu.memory_space<vmem>> -> memref<200x64xf32, #tpu.memory_space<vmem>>
    %dma_wait3A_578 = arith.constant 0 : i32
    %dma_wait3A_579 = arith.constant 0 : i32
    %dma_wait3A_580 = tpu.memref_slice %arg3[%dma_wait3A_578, %dma_wait3A_579] : memref<1000000x64xf32, #tpu.memory_space<hbm>> -> memref<200x64xf32, #tpu.memory_space<hbm>>
    %dma_wait3A_581 = tpu.memref_slice %arg8[%dma_wait3A_573] : memref<8x!tpu.dma_semaphore, #tpu.memory_space<semaphore_mem>> -> memref<1x!tpu.dma_semaphore, #tpu.memory_space<semaphore_mem>>
    %dma_wait3A_582 = tpu.memref_squeeze %dma_wait3A_581 : memref<1x!tpu.dma_semaphore, #tpu.memory_space<semaphore_mem>> -> memref<!tpu.dma_semaphore, #tpu.memory_space<semaphore_mem>>
    %dma_wait3A_583 = arith.constant 0 : i32
    %dma_wait3A_584 = arith.constant 0 : i32
    %dma_wait3A_585 = tpu.memref_slice %arg6[%dma_wait3A_572, %dma_wait3A_583, %dma_wait3A_584] : memref<8x200x64xf32, #tpu.memory_space<vmem>> -> memref<1x200x64xf32, #tpu.memory_space<vmem>>
    %dma_wait3A_586 = tpu.memref_squeeze %dma_wait3A_585 : memref<1x200x64xf32, #tpu.memory_space<vmem>> -> memref<200x64xf32, #tpu.memory_space<vmem>>
    %dma_wait3A_587 = arith.constant 0 : i32
    %dma_wait3A_588 = arith.constant 0 : i32
    %dma_wait3A_589 = tpu.memref_slice %arg3[%dma_wait3A_587, %dma_wait3A_588] : memref<1000000x64xf32, #tpu.memory_space<hbm>> -> memref<200x64xf32, #tpu.memory_space<hbm>>
    tpu.wait_dma2 semaphore(%dma_wait3A_582 : memref<!tpu.dma_semaphore, #tpu.memory_space<semaphore_mem>>) src(%dma_wait3A_589 : memref<200x64xf32, #tpu.memory_space<hbm>>) dst(%dma_wait3A_586 : memref<200x64xf32, #tpu.memory_space<vmem>>)
    return
  }
}

</mosaic_0001>

<sc_bundles>
// kernel: kernel.3.cloned.1.call-start
scs
__scs_entry_jumppad:
0x0: {  	(pc) =	sbr.rel $0x88, $3  }
0x1: {  	(tag) =	ssettag $0x0;
	lr =	simm.s32 $0x1  }
0x2: {  	[smem:$0x3F9F] =	sst lr;
	_ =	strace $0xD0000000  }
0x3: {  	_ = 	snop  }
0x4: {  	_ = 	snop  }
0x5: {  	_ = 	snop  }
0x6: {  	_ = 	snop  }
0x7: {  	_ = 	snop  }
__scs_overlays_trampoline_lowered:
0x8: {  	[smem:$0x3FAE] =	sst s0  }
0x9: {  	[smem:$0x3FAF] =	sst s1  }
0xa: {  	[smem:$0x3FB0] =	sst s2  }
0xb: {  	[smem:$0x3FB1] =	sst s3  }
0xc: {  	[smem:$0x3FB2] =	sst s4  }
0xd: {  	[smem:$0x3FB3] =	sst s5  }
0xe: {  	[smem:$0x3FB4] =	sst s6  }
0xf: {  	[smem:$0x3FB5] =	sst s7  }
0x10: {  	[smem:$0x3FB6] =	sst s8  }
0x11: {  	[smem:$0x3FB7] =	sst s9;
	s0 =	simm.s32 @!p0 $0x0  }
0x12: {  	s1 =	sld [smem:$0x3F9D];
	s0 =	simm.s32 @p0 $0x1  }
0x13: {  	[smem:$0x3FB8] =	sst s0;
	s0 =	simm.s32 @!p1 $0x0  }
0x14: {  	s2 =	sld [smem:$0x3F9C];
	s0 =	simm.s32 @p1 $0x1  }
0x15: {  	[smem:$0x3FB9] =	sst s0;
	s0 =	simm.s32 @!p2 $0x0  }
0x16: {  	s3 =	sld [smem:$0x3FDB];
	s0 =	simm.s32 @p2 $0x1  }
0x17: {  	s4 =	simm.s32 $0x1BF5;
	[smem:$0x3FBB] =	sst s0  }
0x18: {  	s0 =	sld [smem:$0x3F9E];
	_ =	swait.ge [sflag:s4], $0x0  }
0x19: {  	s7 =	sld [smem:$0x3F9F]  }
0x1a: {  	s8 =	sadd.s32 $0xFFFFE003, lr  }
0x1b: {  	s9 =	sadd.s32 $0xFFFFFEF7, lr;
	s5 =	simm.s32 $0xFFFFFFFF;
	p2 =	slt.u32 s8, $0xFFFFF086  }
0x1c: {  	p1 =	slt.u32 s9, $0xF7A;
	s5 =	simm.s32 @!p2 $0x0  }
0x1d: {  	s5 =	simm.s32 @p1 $0x1;
	p0 =	seq.s32 s7, s2  }
0x1e: {  	s7 =	smul.u32 @!p0 $0xF7A, s2;
	p2 =	seq.s32 @!p0 s5, $0x0  }
0x1f: {  	s9 =	smul.u32 $0xF7A, s1;
	s8 =	simm.s32 @!p0 $0x1BF5;
	p2 =	por !p2, p0  }
0x20: {  	[sflag:s8] =	ssyncset.s32 @!p0 $0xFFFFF086;
	s6 =	sadd.s32 @!p0 s3, s7;
	s7 =	simm.s32 @!p0 $0x108  }
0x21: {  	s3 =	sadd.s32 s3, s9;
	s6 =	sadd.s32 @!p0 $0x88, s6;
	s7 =	simm.s32 @p2 $0x1082  }
0x22: {  	[simem:s7], [sflag:s8] =	dma.local @!p0 [hbm:s6], $0xF7A  }
0x23: {  	s9 =	sor.u32 $0xD0000000, s2;
	s6 =	simm.s32 $0x108;
	_ =	swait.ge @!p0 [sflag:s8], $0x0  }
0x24: {  	s3 =	sadd.s32 $0x88, s3;
	s6 =	simm.s32 @!p1 $0x1082;
	[sflag:s4] =	ssyncset.s32 $0xFFFFF086  }
0x25: {  	[simem:s6], [sflag:s4] =	dma.local [hbm:s3], $0xF7A  }
0x26: {  	[smem:$0x3F9F] =	sst s1;
	(tag) =	ssettag s2;
	_ =	strace s9  }
0x27: {  	s1 =	sld [smem:$0x3FAF]  }
0x28: {  	s2 =	sld [smem:$0x3FB0]  }
0x29: {  	s4 =	sld [smem:$0x3FB2]  }
0x2a: {  	p0 =	seq.s32 s5, $0x0;
	s5 =	sld [smem:$0x3FB3]  }
0x2b: {  	s6 =	sld [smem:$0x3FB4]  }
0x2c: {  	s7 =	sld [smem:$0x3FB5]  }
0x2d: {  	s3 =	simm.s32 $0x108;
	s8 =	sld [smem:$0x3FB6]  }
0x2e: {  	s3 =	simm.s32 @!p0 $0x1082;
	s9 =	sld [smem:$0x3FB7]  }
0x2f: {  	lr =	sadd.s32 s0, s3;
	s0 =	sld [smem:$0x3FAE]  }
0x30: {  	s3 =	sld [smem:$0x3FB1]  }
0x31: {  	[smem:$0x3FBA] =	sst s10  }
0x32: {  	s10 =	sld [smem:$0x3FB8];
	_ =	sdelay $0x3  }
0x33: {  	p0 =	seq.s32 s10, $0x1;
	s10 =	sld [smem:$0x3FBA];
	_ =	sdelay $0x3  }
0x34: {  	[smem:$0x3FBA] =	sst s10  }
0x35: {  	s10 =	sld [smem:$0x3FB9];
	_ =	sdelay $0x3  }
0x36: {  	p1 =	seq.s32 s10, $0x1;
	s10 =	sld [smem:$0x3FBA];
	_ =	sdelay $0x3  }
0x37: {  	[smem:$0x3FBA] =	sst s10  }
0x38: {  	s10 =	sld [smem:$0x3FBB]  }
0x39: {  	_ = 	snop;
	(pc) =	sbr.ind lr, $3  }
0x3a: {  	_ = 	snop  }
0x3b: {  	_ = 	snop  }
0x3c: {  	p2 =	seq.s32 s10, $0x1;
	s10 =	sld [smem:$0x3FBA]  }
0x3d: {  	_ =	shalt  }
0x3e: {  	_ =	shalt  }
0x3f: {  	_ =	shalt  }
0x40: {  	_ =	shalt  }
0x41: {  	_ =	shalt  }
0x42: {  	_ =	shalt  }
0x43: {  	_ =	shalt  }
0x44: {  	_ =	shalt  }
0x45: {  	_ =	shalt  }
0x46: {  	_ =	shalt  }
0x47: {  	_ =	shalt  }
0x48: {  	_ =	shalt  }
0x49: {  	_ =	shalt  }
0x4a: {  	_ =	shalt  }
0x4b: {  	_ =	shalt  }
0x4c: {  	_ =	shalt  }
0x4d: {  	_ =	shalt  }
0x4e: {  	_ =	shalt  }
0x4f: {  	_ =	shalt  }
0x50: {  	_ =	shalt  }
0x51: {  	_ =	shalt  }
0x52: {  	_ =	shalt  }
0x53: {  	_ =	shalt  }
0x54: {  	_ =	shalt  }
0x55: {  	_ =	shalt  }
0x56: {  	_ =	shalt  }
0x57: {  	_ =	shalt  }
0x58: {  	_ =	shalt  }
0x59: {  	_ =	shalt  }
0x5a: {  	_ =	shalt  }
0x5b: {  	_ =	shalt  }
0x5c: {  	_ =	shalt  }
0x5d: {  	_ =	shalt  }
0x5e: {  	_ =	shalt  }
0x5f: {  	_ =	shalt  }
0x60: {  	_ =	shalt  }
0x61: {  	_ =	shalt  }
0x62: {  	_ =	shalt  }
0x63: {  	_ =	shalt  }
0x64: {  	_ =	shalt  }
0x65: {  	_ =	shalt  }
0x66: {  	_ =	shalt  }
0x67: {  	_ =	shalt  }
0x68: {  	_ =	shalt  }
0x69: {  	_ =	shalt  }
0x6a: {  	_ =	shalt  }
0x6b: {  	_ =	shalt  }
0x6c: {  	_ =	shalt  }
0x6d: {  	_ =	shalt  }
0x6e: {  	_ =	shalt  }
0x6f: {  	_ =	shalt  }
0x70: {  	_ =	shalt  }
0x71: {  	_ =	shalt  }
0x72: {  	_ =	shalt  }
0x73: {  	_ =	shalt  }
0x74: {  	_ =	shalt  }
0x75: {  	_ =	shalt  }
0x76: {  	_ =	shalt  }
0x77: {  	_ =	shalt  }
0x78: {  	_ =	shalt  }
0x79: {  	_ =	shalt  }
0x7a: {  	_ =	shalt  }
0x7b: {  	_ =	shalt  }
0x7c: {  	_ =	shalt  }
0x7d: {  	_ =	shalt  }
0x7e: {  	_ =	shalt  }
0x7f: {  	_ =	shalt  }
0x80: {  	_ =	shalt  }
0x81: {  	_ =	shalt  }
0x82: {  	_ =	shalt  }
0x83: {  	_ =	shalt  }
0x84: {  	_ =	shalt  }
0x85: {  	_ =	shalt  }
0x86: {  	_ =	shalt  }
0x87: {  	_ =	shalt  }
.Lfunc_end0:
.L_simem_size_0:
called_computation.1_lowered:
.L_overlay_start_0:
0x88: {  	s2 =	sld [smem:$0x3FD9]  }
0x89: {  	s3 =	sld [smem:$0x3FFE];
	_ =	sdelay $0x1  }
0x8a: {  	s1 =	srdreg.scid  }
0x8b: {  	s0 =	sand.u32 $0x1, s1  }
0x8c: {  	s17 =	sshll.u32 s0, $0xA;
	s2 =	sadd.s32 s3, s2  }
0x8d: {  	s2 =	sadd.s32 s2, s17  }
0x8e: {  	[smem:$0x3FC6] =	sst s2  }
0x8f: {  	_ = 	snop  }
0x90: {  	s2 =	sld [smem:$0x3FD0];
	(tm) =	ssettm $0x1  }
0x91: {  	s18 =	sld [smem:$0x3FFB];
	_ =	sdelay $0x3  }
0x92: {  	_ =	strace s18  }
0x93: {  	s3 =	sld [smem:$0x3FFC];
	_ =	sdelay $0x3  }
0x94: {  	_ =	strace s3  }
0x95: {  	s3 =	sld [smem:$0x3FFD];
	_ =	sdelay $0x3  }
0x96: {  	_ =	strace s3  }
0x97: {  	_ =	strace $0x8FFFFFFF  }
0x98: {  	s19 =	sld [smem:$0x3FDB];
	_ =	sdelay $0x1  }
0x99: {  	s4 =	simm.s32 $_scs_section_size  }
0x9a: {  	s5 =	simm.s32 $_size__tile_overlayer_lowered;
	s6 =	simm.s32 $_tile_overlayer_lowered  }
0x9b: {  	s22 =	simm.s32 $0x1BFF;
	s21 =	sshll.u32 s6, $0x1;
	s3 =	sadd.s32 s4, s19  }
0x9c: {  	s7 =	simm.s32 $0x0;
	s20 =	sshll.u32 s5, $0x1;
	s5 =	sadd.s32 s21, s3  }
0x9d: {  	[timem:s7], [sflag:s22] =	dma.local [hbm:s5], s20  }
0x9e: {  	_ =	swait.ge [sflag:s22], s20  }
0x9f: {  	s4 =	ssub.s32 $0x0, s20;
	[sflag:s22] =	ssyncset.done $0x0  }
0xa0: {  	[sflag:s22] =	ssyncadd.s32 s4;
	_ =	sdelay $0x1  }
0xa1: {  	s23 =	simm.s32 $0x1B8B  }
0xa2: {  	_ =	swait.ge [sflag:s23], $0x1  }
0xa3: {  	[sflag:s23] =	ssyncset.done $0x0  }
0xa4: {  	s25 =	simm.s32 $0x1B8E;
	s24 =	sld [smem:$0x3FFE];
	[sflag:s23] =	ssyncadd.s32 $0xFFFFFFFF  }
0xa5: {  	s26 =	simm.s32 $execute0_lowered;
	[smem:$0x3FD2] =	sst s25  }
0xa6: {  	s5 =	sshll.u32 s26, $0x1;
	_ =	strace $0x80000046;
	[dreg:$0x1] =	wrdreg $0xFFFFFFFF  }
0xa7: {  	s28 =	simm.s32 $_size_execute0_lowered;
	s3 =	sadd.s32 s3, s5;
	[dreg:$0x0] =	wrdreg $0x0  }
0xa8: {  	s5 =	sshll.u32 s28, $0x1;
	[dreg:$0x2] =	wrdreg s3  }
0xa9: {  	[dreg:$0x3] =	wrdreg s5  }
0xaa: {  	[dreg:$0x4] =	wrdreg $0xC0  }
0xab: {  	_ =	task [dreg:s7], $0x5FFFF  }
0xac: {  	[dreg:$0x1] =	wrdreg $0xFFFFFFFF  }
0xad: {  	[dreg:$0x0] =	wrdreg $0x60  }
0xae: {  	[dreg:$0x2] =	wrdreg s24  }
0xaf: {  	[dreg:$0x3] =	wrdreg s2  }
0xb0: {  	[dreg:$0x4] =	wrdreg $0x9  }
0xb1: {  	_ =	task.clear_ibuf [dreg:s7], $0x5FFFF;
	_ =	strace $0x90000046  }
0xb2: {  	s29 =	simm.s32 $0x9;
	_ =	strace $0x80000048  }
0xb3: {  	_ =	swait.ge [sflag:s29], $0x1  }
0xb4: {  	[sflag:s29] =	ssyncadd.s32 $0xFFFFFFFF  }
0xb5: {  	_ =	strace $0x90000048  }
0xb6: {  	_ =	sfence  }
0xb7: {  	s30 =	sld [smem:$0x0];
	_ =	sdelay $0x2  }
0xb8: {  	s31 =	sshll.u32 s1, $0xD;
	s1 =	sshrl.u32 s1, $0x2  }
0xb9: {  	s3 =	sand.u32 $0x4000, s31;
	s1 =	sadd.s32 s1, s30  }
0xba: {  	s0 =	sor.u32 s3, s0;
	s1 =	sshll.u32 s1, $0x11  }
0xbb: {  	s0 =	sor.u32 s1, s0  }
0xbc: {  	s0 =	sadd.s32 $0x8F2B, s0  }
0xbd: {  	[sflag:s0] =	ssyncadd.remote.s32 $0x1  }
0xbe: {  	_ =	sfence.sel $0xFFFF  }
0xbf: {  	[dreg:$0x0] =	wrdreg $0xFFFFFFFF;
	(pc) =	sbr.abs _section_cstart, $3  }
0xc0: {  	[dreg:$0x1] =	wrdreg $0xFFFFFFFF  }
0xc1: {  	_ =	task.clear_ibuf [dreg:s7], $0x2FFFF;
	_ =	strace $0x9FFFFFFF  }
0xc2: {  	(tm) =	ssettm $0x7FFFFFFF  }
0xc3: {  	_ =	shalt  }
tec
execute0_lowered:
.L_overlay_start_1:
0x0: {  	(tag) =	ssettag $0x1  }
0x1: {  	s0 =	srdreg.scid;
	s1 =	rddreg [dreg:$0x0]  }
0x2: {  	s9 =	stileid.u32;
	s4 =	rddreg [dreg:$0x1]  }
0x3: {  	s2 =	simm.s32 $0x0;
	s16 =	simm.s32 $0xC8;
	s17 =	simm.s32 $0x6400  }
0x4: {  	s18 =	simm.s32 $0x9600;
	s29 =	simm.s32 $0x15E00;
	s30 =	simm.s32 $0x3  }
0x5: {  	s28 =	simm.s32 $0x9;
	s31 =	simm.s32 $0x6;
	s10 =	simm.s32 $0xE  }
0x6: {  	s11 =	simm.s32 $0xF;
	s12 =	simm.s32 $0x10;
	s0 =	sand.u32 $0x1, s0  }
0x7: {  	s3 =	sshll.u32 s9, $0x8;
	s22 =	smul.u32 $0x64000, s9;
	s5 =	sshll.u32 s0, $0x7  }
0x8: {  	s7 =	ssub.s32 $0x2, s0;
	s0 =	smul.u32 $0x32000, s0;
	s5 =	sor.u32 s5, s3  }
0x9: {  	s13 =	simm.s32 $0x0;
	[smem:$0x7FF] =	sst s2;
	s3 =	smul.u32 $0x19, s5  }
0xa: {  	s9 =	simm.s32 $0xD;
	_ =	strace $0x80000047;
	s8 =	smul.u32 $0x640, s5  }
0xb: {  	s19 =	sshrl.u32 s7, $0x1;
	s5 =	smul.u32 $0x3200, s5;
	s6 =	sadd.s32 s3, s1  }
0xc: {  	s3 =	sadd.s32 $0xF42E00, s1;
	s1 =	ssub.s32 s7, s19;
	s20 =	sadd.s32 s4, s8  }
0xd: {  	s5 =	sshrl.u32 s5, $0x3;
	s19 =	simm.s32 $0xA;
	s6 =	sadd.s32 $0xA00, s6  }
0xe: {  	s21 =	sadd.s32 $0x640, s20;
	s8 =	sadd.s32 $0xC80, s20;
	[dreg:$0x4] =	wrdreg s20  }
0xf: {  	s5 =	sadd.s32 s4, s5;
	s7 =	sadd.s32 $0x12C0, s20;
	[dreg:$0x3] =	wrdreg s6  }
0x10: {  	s4 =	sadd.s32 s22, s4;
	s1 =	smax.u32 s1, $0x1;
	[dreg:$0x5] =	wrdreg s21  }
0x11: {  	s20 =	simm.s32 $0xC800;
	s22 =	simm.s32 $0xFA00;
	[dreg:$0x6] =	wrdreg s8  }
0x12: {  	[dreg:$0x7] =	wrdreg s7;
	s23 =	sadd.s32 $0x30700, s5;
	s24 =	sadd.s32 $0x30D40, s5  }
0x13: {  	s25 =	sadd.s32 $0x31380, s5;
	s0 =	sadd.s32 s0, s4;
	[dreg:$0xc] =	wrdreg s1  }
0x14: {  	s26 =	sadd.s32 $0x319C0, s5;
	s1 =	simm.s32 $0x19000;
	[dreg:$0x8] =	wrdreg s23  }
0x15: {  	s21 =	simm.s32 $0x1C200;
	s4 =	simm.s32 $0x7;
	[dreg:$0x9] =	wrdreg s24  }
0x16: {  	s6 =	simm.s32 $0xB;
	s7 =	simm.s32 $0x8;
	[dreg:$0xa] =	wrdreg s25  }
0x17: {  	s8 =	simm.s32 $0xC;
	[dreg:$0xb] =	wrdreg s26;
	s0 =	sadd.s32 $0x2580, s0  }
0x18: {  	s23 =	simm.s32 $0x1;
	s25 =	simm.s32 $0x12C00;
	s26 =	simm.s32 $0x2  }
0x19: {  	s24 =	simm.s32 $0x5;
	[dreg:$0xd] =	wrdreg s0;
	s0 =	simm.s32 $0x4  }
.LBB2_1:
0x1a: {  	[dreg:$0xe] =	wrdreg s13  }
0x1b: {  	s5 =	rddreg [dreg:$0x3];
	s14 =	simm.s32 $0x11  }
0x1c: {  	[tilespmem:s2], [sflag:$0x11] =	stream.linear.gather [hbm4b:s5+s2], $0x6400, $0x38;
	[tilespmem:$0x1F400] =	vst v63  }
0x1d: {  	_ =	swait.ge [sflag:s14], $0x6400  }
0x1e: {  	[sflag:s14] =	ssyncset.done $0x0  }
0x1f: {  	[sflag:s14] =	ssyncadd.s32 $0xFFFF9C00  }
0x20: {  	[tilespmem:s17], [sflag:$0x1] =	stream.indirect.gather [hbm4b:s3+s16], $0x40, s2, s16, $0xb8;
	[tilespmem:$0x1F400] =	vst v63  }
0x21: {  	_ = 	snop  }
0x22: {  	[tilespmem:s18], [sflag:$0x2] =	stream.indirect.gather [hbm4b:s3+s16], $0x40, s16, s16, $0xb8;
	[tilespmem:$0x1F400] =	vst v63  }
0x23: {  	s15 =	simm.s32 $0x190  }
0x24: {  	[tilespmem:s20], [sflag:$0x3] =	stream.indirect.gather [hbm4b:s3+s16], $0x40, s15, s16, $0xb8;
	[tilespmem:$0x1F400] =	vst v63  }
0x25: {  	s13 =	simm.s32 $0x258  }
0x26: {  	[tilespmem:s22], [sflag:$0x4] =	stream.indirect.gather [hbm4b:s3+s16], $0x40, s13, s16, $0xb8;
	[tilespmem:$0x1F400] =	vst v63  }
0x27: {  	_ =	swait.ge [sflag:s23], $0x3200  }
0x28: {  	[sflag:s23] =	ssyncset.done $0x0  }
0x29: {  	s14 =	rddreg [dreg:$0x4];
	[sflag:s23] =	ssyncadd.s32 $0xFFFFCE00  }
0x2a: {  	[hbm4b:s14+s2] =	stream.linear.scatter [tilespmem:s17], [sflag:$0x9], $0x3200, $0x38;
	[tilespmem:$0x1F400] =	vst v63  }
0x2b: {  	s15 =	simm.s32 $0x320  }
0x2c: {  	[tilespmem:s25], [sflag:$0x5] =	stream.indirect.gather [hbm4b:s3+s16], $0x40, s15, s16, $0xb8;
	[tilespmem:$0x1F400] =	vst v63  }
0x2d: {  	_ =	swait.ge [sflag:s26], $0x3200  }
0x2e: {  	[sflag:s26] =	ssyncset.done $0x0  }
0x2f: {  	s13 =	rddreg [dreg:$0x5];
	[sflag:s26] =	ssyncadd.s32 $0xFFFFCE00  }
0x30: {  	[hbm4b:s13+s2] =	stream.linear.scatter [tilespmem:s18], [sflag:$0xA], $0x3200, $0x38;
	[tilespmem:$0x1F400] =	vst v63  }
0x31: {  	s14 =	simm.s32 $0x3E8  }
0x32: {  	[tilespmem:s29], [sflag:$0x6] =	stream.indirect.gather [hbm4b:s3+s16], $0x40, s14, s16, $0xb8;
	[tilespmem:$0x1F400] =	vst v63  }
0x33: {  	_ =	swait.ge [sflag:s30], $0x3200  }
0x34: {  	[sflag:s30] =	ssyncset.done $0x0  }
0x35: {  	s15 =	rddreg [dreg:$0x6];
	[sflag:s30] =	ssyncadd.s32 $0xFFFFCE00  }
0x36: {  	[hbm4b:s15+s2] =	stream.linear.scatter [tilespmem:s20], [sflag:$0xB], $0x3200, $0x38;
	[tilespmem:$0x1F400] =	vst v63  }
0x37: {  	s13 =	simm.s32 $0x4B0  }
0x38: {  	[tilespmem:s1], [sflag:$0x7] =	stream.indirect.gather [hbm4b:s3+s16], $0x40, s13, s16, $0xb8;
	[tilespmem:$0x1F400] =	vst v63  }
0x39: {  	_ =	swait.ge [sflag:s0], $0x3200  }
0x3a: {  	[sflag:s0] =	ssyncset.done $0x0  }
0x3b: {  	s14 =	rddreg [dreg:$0x7];
	[sflag:s0] =	ssyncadd.s32 $0xFFFFCE00  }
0x3c: {  	[hbm4b:s14+s2] =	stream.linear.scatter [tilespmem:s22], [sflag:$0xC], $0x3200, $0x38;
	[tilespmem:$0x1F400] =	vst v63  }
0x3d: {  	s15 =	simm.s32 $0x578  }
0x3e: {  	[tilespmem:s21], [sflag:$0x8] =	stream.indirect.gather [hbm4b:s3+s16], $0x40, s15, s16, $0xb8;
	[tilespmem:$0x1F400] =	vst v63  }
0x3f: {  	_ =	swait.ge [sflag:s24], $0x3200  }
0x40: {  	[sflag:s24] =	ssyncset.done $0x0;
	s14 =	rddreg [dreg:$0xd]  }
0x41: {  	[sflag:s24] =	ssyncadd.s32 $0xFFFFCE00;
	s13 =	sadd.s32 $0xFFFFF380, s14  }
0x42: {  	[hbm4b:s13+s2] =	stream.linear.scatter [tilespmem:s25], [sflag:$0xD], $0x3200, $0x38;
	[tilespmem:$0x1F400] =	vst v63  }
0x43: {  	_ =	swait.ge [sflag:s28], $0x3200  }
0x44: {  	[sflag:s28] =	ssyncset.done $0x0  }
0x45: {  	s15 =	simm.s32 $0x640;
	[sflag:s28] =	ssyncadd.s32 $0xFFFFCE00  }
0x46: {  	[tilespmem:s17], [sflag:$0x1] =	stream.indirect.gather [hbm4b:s3+s16], $0x40, s15, s16, $0xb8;
	[tilespmem:$0x1F400] =	vst v63  }
0x47: {  	_ =	swait.ge [sflag:s31], $0x3200  }
0x48: {  	[sflag:s31] =	ssyncset.done $0x0  }
0x49: {  	s13 =	sadd.s32 $0xFFFFF9C0, s14;
	[sflag:s31] =	ssyncadd.s32 $0xFFFFCE00  }
0x4a: {  	[hbm4b:s13+s2] =	stream.linear.scatter [tilespmem:s29], [sflag:$0xE], $0x3200, $0x38;
	[tilespmem:$0x1F400] =	vst v63  }
0x4b: {  	_ =	swait.ge [sflag:s19], $0x3200  }
0x4c: {  	[sflag:s19] =	ssyncset.done $0x0  }
0x4d: {  	s15 =	simm.s32 $0x708;
	[sflag:s19] =	ssyncadd.s32 $0xFFFFCE00  }
0x4e: {  	[tilespmem:s18], [sflag:$0x2] =	stream.indirect.gather [hbm4b:s3+s16], $0x40, s15, s16, $0xb8;
	[tilespmem:$0x1F400] =	vst v63  }
0x4f: {  	_ =	swait.ge [sflag:s4], $0x3200  }
0x50: {  	[sflag:s4] =	ssyncset.done $0x0  }
0x51: {  	[sflag:s4] =	ssyncadd.s32 $0xFFFFCE00  }
0x52: {  	[hbm4b:s14+s2] =	stream.linear.scatter [tilespmem:s1], [sflag:$0xF], $0x3200, $0x38;
	[tilespmem:$0x1F400] =	vst v63  }
0x53: {  	_ =	swait.ge [sflag:s6], $0x3200  }
0x54: {  	[sflag:s6] =	ssyncset.done $0x0  }
0x55: {  	s13 =	simm.s32 $0x7D0;
	[sflag:s6] =	ssyncadd.s32 $0xFFFFCE00  }
0x56: {  	[tilespmem:s20], [sflag:$0x3] =	stream.indirect.gather [hbm4b:s3+s16], $0x40, s13, s16, $0xb8;
	[tilespmem:$0x1F400] =	vst v63  }
0x57: {  	_ =	swait.ge [sflag:s7], $0x3200  }
0x58: {  	[sflag:s7] =	ssyncset.done $0x0  }
0x59: {  	s15 =	sadd.s32 $0x640, s14;
	[sflag:s7] =	ssyncadd.s32 $0xFFFFCE00  }
0x5a: {  	[hbm4b:s15+s2] =	stream.linear.scatter [tilespmem:s21], [sflag:$0x10], $0x3200, $0x38;
	[tilespmem:$0x1F400] =	vst v63  }
0x5b: {  	_ =	swait.ge [sflag:s8], $0x3200  }
0x5c: {  	[sflag:s8] =	ssyncset.done $0x0  }
0x5d: {  	s13 =	simm.s32 $0x898;
	[sflag:s8] =	ssyncadd.s32 $0xFFFFCE00  }
0x5e: {  	[tilespmem:s22], [sflag:$0x4] =	stream.indirect.gather [hbm4b:s3+s16], $0x40, s13, s16, $0xb8;
	[tilespmem:$0x1F400] =	vst v63  }
0x5f: {  	_ =	swait.ge [sflag:s23], $0x3200  }
0x60: {  	[sflag:s23] =	ssyncset.done $0x0  }
0x61: {  	s15 =	sadd.s32 $0xC80, s14;
	[sflag:s23] =	ssyncadd.s32 $0xFFFFCE00  }
0x62: {  	[hbm4b:s15+s2] =	stream.linear.scatter [tilespmem:s17], [sflag:$0x9], $0x3200, $0x38;
	[tilespmem:$0x1F400] =	vst v63  }
0x63: {  	_ =	swait.ge [sflag:s9], $0x3200  }
0x64: {  	[sflag:s9] =	ssyncset.done $0x0  }
0x65: {  	s13 =	simm.s32 $0x960;
	[sflag:s9] =	ssyncadd.s32 $0xFFFFCE00  }
0x66: {  	[tilespmem:s25], [sflag:$0x5] =	stream.indirect.gather [hbm4b:s3+s16], $0x40, s13, s16, $0xb8;
	[tilespmem:$0x1F400] =	vst v63  }
0x67: {  	_ =	swait.ge [sflag:s26], $0x3200  }
0x68: {  	[sflag:s26] =	ssyncset.done $0x0  }
0x69: {  	s15 =	sadd.s32 $0x12C0, s14;
	[sflag:s26] =	ssyncadd.s32 $0xFFFFCE00  }
0x6a: {  	[hbm4b:s15+s2] =	stream.linear.scatter [tilespmem:s18], [sflag:$0xA], $0x3200, $0x38;
	[tilespmem:$0x1F400] =	vst v63  }
0x6b: {  	_ =	swait.ge [sflag:s10], $0x3200  }
0x6c: {  	[sflag:s10] =	ssyncset.done $0x0  }
0x6d: {  	s13 =	simm.s32 $0xA28;
	[sflag:s10] =	ssyncadd.s32 $0xFFFFCE00  }
0x6e: {  	[tilespmem:s29], [sflag:$0x6] =	stream.indirect.gather [hbm4b:s3+s16], $0x40, s13, s16, $0xb8;
	[tilespmem:$0x1F400] =	vst v63  }
0x6f: {  	_ =	swait.ge [sflag:s30], $0x3200  }
0x70: {  	[sflag:s30] =	ssyncset.done $0x0  }
0x71: {  	s15 =	sadd.s32 $0x1900, s14;
	[sflag:s30] =	ssyncadd.s32 $0xFFFFCE00  }
0x72: {  	[hbm4b:s15+s2] =	stream.linear.scatter [tilespmem:s20], [sflag:$0xB], $0x3200, $0x38;
	[tilespmem:$0x1F400] =	vst v63  }
0x73: {  	_ =	swait.ge [sflag:s11], $0x3200  }
0x74: {  	[sflag:s11] =	ssyncset.done $0x0  }
0x75: {  	s13 =	simm.s32 $0xAF0;
	[sflag:s11] =	ssyncadd.s32 $0xFFFFCE00  }
0x76: {  	[tilespmem:s1], [sflag:$0x7] =	stream.indirect.gather [hbm4b:s3+s16], $0x40, s13, s16, $0xb8;
	[tilespmem:$0x1F400] =	vst v63  }
0x77: {  	_ =	swait.ge [sflag:s0], $0x3200  }
0x78: {  	[sflag:s0] =	ssyncset.done $0x0  }
0x79: {  	s15 =	sadd.s32 $0x1F40, s14;
	[sflag:s0] =	ssyncadd.s32 $0xFFFFCE00  }
0x7a: {  	[hbm4b:s15+s2] =	stream.linear.scatter [tilespmem:s22], [sflag:$0xC], $0x3200, $0x38;
	[tilespmem:$0x1F400] =	vst v63  }
0x7b: {  	_ =	swait.ge [sflag:s12], $0x3200  }
0x7c: {  	s5 =	simm.s32 $0x1900;
	[sflag:s12] =	ssyncset.done $0x0  }
0x7d: {  	s13 =	simm.s32 $0xBB8;
	s15 =	sadd.s32 $0x3200, s14;
	[sflag:s12] =	ssyncadd.s32 $0xFFFFCE00  }
.LBB2_2:
0x7e: {  	[tilespmem:s21], [sflag:$0x8] =	stream.indirect.gather [hbm4b:s3+s16], $0x40, s13, s16, $0xb8;
	[tilespmem:$0x1F400] =	vst v63  }
0x7f: {  	s13 =	smov.u32 s5  }
0x80: {  	p0 =	sne.s32 s5, $0x15E00;
	s5 =	sadd.s32 $0x1900, s5;
	_ =	swait.ge [sflag:s24], $0x3200  }
0x81: {  	[sflag:s24] =	ssyncset.done $0x0  }
0x82: {  	s14 =	sadd.s32 $0xFFFFF380, s15;
	[sflag:s24] =	ssyncadd.s32 $0xFFFFCE00  }
0x83: {  	[hbm4b:s14+s2] =	stream.linear.scatter [tilespmem:s25], [sflag:$0xD], $0x3200, $0x38;
	[tilespmem:$0x1F400] =	vst v63  }
0x84: {  	_ =	swait.ge [sflag:s28], $0x3200  }
0x85: {  	s13 =	sshra.s32 s13, $0x2;
	[sflag:s28] =	ssyncset.done $0x0  }
0x86: {  	s14 =	sadd.s32 $0x640, s13;
	[sflag:s28] =	ssyncadd.s32 $0xFFFFCE00  }
0x87: {  	[tilespmem:s17], [sflag:$0x1] =	stream.indirect.gather [hbm4b:s3+s16], $0x40, s14, s16, $0xb8;
	[tilespmem:$0x1F400] =	vst v63  }
0x88: {  	_ =	swait.ge [sflag:s31], $0x3200  }
0x89: {  	[sflag:s31] =	ssyncset.done $0x0  }
0x8a: {  	s14 =	sadd.s32 $0xFFFFF9C0, s15;
	[sflag:s31] =	ssyncadd.s32 $0xFFFFCE00  }
0x8b: {  	[hbm4b:s14+s2] =	stream.linear.scatter [tilespmem:s29], [sflag:$0xE], $0x3200, $0x38;
	[tilespmem:$0x1F400] =	vst v63  }
0x8c: {  	_ =	swait.ge [sflag:s19], $0x3200  }
0x8d: {  	[sflag:s19] =	ssyncset.done $0x0  }
0x8e: {  	s14 =	sadd.s32 $0x708, s13;
	[sflag:s19] =	ssyncadd.s32 $0xFFFFCE00  }
0x8f: {  	[tilespmem:s18], [sflag:$0x2] =	stream.indirect.gather [hbm4b:s3+s16], $0x40, s14, s16, $0xb8;
	[tilespmem:$0x1F400] =	vst v63  }
0x90: {  	_ =	swait.ge [sflag:s4], $0x3200  }
0x91: {  	[sflag:s4] =	ssyncset.done $0x0  }
0x92: {  	[sflag:s4] =	ssyncadd.s32 $0xFFFFCE00  }
0x93: {  	[hbm4b:s15+s2] =	stream.linear.scatter [tilespmem:s1], [sflag:$0xF], $0x3200, $0x38;
	[tilespmem:$0x1F400] =	vst v63  }
0x94: {  	_ =	swait.ge [sflag:s6], $0x3200  }
0x95: {  	[sflag:s6] =	ssyncset.done $0x0  }
0x96: {  	s14 =	sadd.s32 $0x7D0, s13;
	[sflag:s6] =	ssyncadd.s32 $0xFFFFCE00  }
0x97: {  	[tilespmem:s20], [sflag:$0x3] =	stream.indirect.gather [hbm4b:s3+s16], $0x40, s14, s16, $0xb8;
	[tilespmem:$0x1F400] =	vst v63  }
0x98: {  	_ =	swait.ge [sflag:s7], $0x3200  }
0x99: {  	[sflag:s7] =	ssyncset.done $0x0  }
0x9a: {  	s14 =	sadd.s32 $0x640, s15;
	[sflag:s7] =	ssyncadd.s32 $0xFFFFCE00  }
0x9b: {  	[hbm4b:s14+s2] =	stream.linear.scatter [tilespmem:s21], [sflag:$0x10], $0x3200, $0x38;
	[tilespmem:$0x1F400] =	vst v63  }
0x9c: {  	_ =	swait.ge [sflag:s8], $0x3200  }
0x9d: {  	[sflag:s8] =	ssyncset.done $0x0  }
0x9e: {  	s14 =	sadd.s32 $0x898, s13;
	[sflag:s8] =	ssyncadd.s32 $0xFFFFCE00  }
0x9f: {  	[tilespmem:s22], [sflag:$0x4] =	stream.indirect.gather [hbm4b:s3+s16], $0x40, s14, s16, $0xb8;
	[tilespmem:$0x1F400] =	vst v63  }
0xa0: {  	_ =	swait.ge [sflag:s23], $0x3200  }
0xa1: {  	[sflag:s23] =	ssyncset.done $0x0  }
0xa2: {  	s14 =	sadd.s32 $0xC80, s15;
	[sflag:s23] =	ssyncadd.s32 $0xFFFFCE00  }
0xa3: {  	[hbm4b:s14+s2] =	stream.linear.scatter [tilespmem:s17], [sflag:$0x9], $0x3200, $0x38;
	[tilespmem:$0x1F400] =	vst v63  }
0xa4: {  	_ =	swait.ge [sflag:s9], $0x3200  }
0xa5: {  	[sflag:s9] =	ssyncset.done $0x0  }
0xa6: {  	s14 =	sadd.s32 $0x960, s13;
	[sflag:s9] =	ssyncadd.s32 $0xFFFFCE00  }
0xa7: {  	[tilespmem:s25], [sflag:$0x5] =	stream.indirect.gather [hbm4b:s3+s16], $0x40, s14, s16, $0xb8;
	[tilespmem:$0x1F400] =	vst v63  }
0xa8: {  	_ =	swait.ge [sflag:s26], $0x3200  }
0xa9: {  	[sflag:s26] =	ssyncset.done $0x0  }
0xaa: {  	s14 =	sadd.s32 $0x12C0, s15;
	[sflag:s26] =	ssyncadd.s32 $0xFFFFCE00  }
0xab: {  	[hbm4b:s14+s2] =	stream.linear.scatter [tilespmem:s18], [sflag:$0xA], $0x3200, $0x38;
	[tilespmem:$0x1F400] =	vst v63  }
0xac: {  	_ =	swait.ge [sflag:s10], $0x3200  }
0xad: {  	[sflag:s10] =	ssyncset.done $0x0  }
0xae: {  	s14 =	sadd.s32 $0xA28, s13;
	[sflag:s10] =	ssyncadd.s32 $0xFFFFCE00  }
0xaf: {  	[tilespmem:s29], [sflag:$0x6] =	stream.indirect.gather [hbm4b:s3+s16], $0x40, s14, s16, $0xb8;
	[tilespmem:$0x1F400] =	vst v63  }
0xb0: {  	_ =	swait.ge [sflag:s30], $0x3200  }
0xb1: {  	[sflag:s30] =	ssyncset.done $0x0  }
0xb2: {  	s14 =	sadd.s32 $0x1900, s15;
	[sflag:s30] =	ssyncadd.s32 $0xFFFFCE00  }
0xb3: {  	[hbm4b:s14+s2] =	stream.linear.scatter [tilespmem:s20], [sflag:$0xB], $0x3200, $0x38;
	[tilespmem:$0x1F400] =	vst v63  }
0xb4: {  	_ =	swait.ge [sflag:s11], $0x3200  }
0xb5: {  	[sflag:s11] =	ssyncset.done $0x0  }
0xb6: {  	s14 =	sadd.s32 $0xAF0, s13;
	[sflag:s11] =	ssyncadd.s32 $0xFFFFCE00  }
0xb7: {  	[tilespmem:s1], [sflag:$0x7] =	stream.indirect.gather [hbm4b:s3+s16], $0x40, s14, s16, $0xb8;
	[tilespmem:$0x1F400] =	vst v63  }
0xb8: {  	_ =	swait.ge [sflag:s0], $0x3200  }
0xb9: {  	[sflag:s0] =	ssyncset.done $0x0  }
.Ltmp0:
0xba: {  	s14 =	sadd.s32 $0x1F40, s15;
	[sflag:s0] =	ssyncadd.s32 $0xFFFFCE00;
	(pc) =	sbr.rel @p0 .LBB2_2-.Ltmp0, $4  }
0xbb: {  	[hbm4b:s14+s2] =	stream.linear.scatter [tilespmem:s22], [sflag:$0xC], $0x3200, $0x38;
	[tilespmem:$0x1F400] =	vst v63  }
0xbc: {  	_ =	swait.ge [sflag:s12], $0x3200  }
0xbd: {  	[sflag:s12] =	ssyncset.done $0x0  }
0xbe: {  	s13 =	sadd.s32 $0xBB8, s13;
	s15 =	sadd.s32 $0x3200, s15;
	[sflag:s12] =	ssyncadd.s32 $0xFFFFCE00  }
0xbf: {  	[tilespmem:s21], [sflag:$0x8] =	stream.indirect.gather [hbm4b:s3+s16], $0x40, s13, s16, $0xb8;
	[tilespmem:$0x1F400] =	vst v63  }
0xc0: {  	_ =	swait.ge [sflag:s24], $0x3200  }
0xc1: {  	[sflag:s24] =	ssyncset.done $0x0  }
0xc2: {  	s5 =	rddreg [dreg:$0x8];
	[sflag:s24] =	ssyncadd.s32 $0xFFFFCE00  }
0xc3: {  	[hbm4b:s5+s2] =	stream.linear.scatter [tilespmem:s25], [sflag:$0xD], $0x3200, $0x38;
	[tilespmem:$0x1F400] =	vst v63  }
0xc4: {  	_ =	swait.ge [sflag:s31], $0x3200  }
0xc5: {  	[sflag:s31] =	ssyncset.done $0x0  }
0xc6: {  	s14 =	rddreg [dreg:$0x9];
	[sflag:s31] =	ssyncadd.s32 $0xFFFFCE00  }
0xc7: {  	[hbm4b:s14+s2] =	stream.linear.scatter [tilespmem:s29], [sflag:$0xE], $0x3200, $0x38;
	[tilespmem:$0x1F400] =	vst v63  }
0xc8: {  	_ =	swait.ge [sflag:s4], $0x3200  }
0xc9: {  	[sflag:s4] =	ssyncset.done $0x0  }
0xca: {  	s15 =	rddreg [dreg:$0xa];
	[sflag:s4] =	ssyncadd.s32 $0xFFFFCE00  }
0xcb: {  	[hbm4b:s15+s2] =	stream.linear.scatter [tilespmem:s1], [sflag:$0xF], $0x3200, $0x38;
	[tilespmem:$0x1F400] =	vst v63  }
0xcc: {  	_ =	swait.ge [sflag:s7], $0x3200  }
0xcd: {  	[sflag:s7] =	ssyncset.done $0x0  }
0xce: {  	s13 =	rddreg [dreg:$0xb];
	[sflag:s7] =	ssyncadd.s32 $0xFFFFCE00  }
0xcf: {  	[hbm4b:s13+s2] =	stream.linear.scatter [tilespmem:s21], [sflag:$0x10], $0x3200, $0x38;
	[tilespmem:$0x1F400] =	vst v63  }
0xd0: {  	_ =	swait.ge [sflag:s28], $0x3200  }
0xd1: {  	[sflag:s28] =	ssyncset.done $0x0  }
0xd2: {  	[sflag:s28] =	ssyncadd.s32 $0xFFFFCE00  }
0xd3: {  	_ =	swait.ge [sflag:s19], $0x3200  }
0xd4: {  	[sflag:s19] =	ssyncset.done $0x0  }
0xd5: {  	[sflag:s19] =	ssyncadd.s32 $0xFFFFCE00  }
0xd6: {  	_ =	swait.ge [sflag:s6], $0x3200  }
0xd7: {  	[sflag:s6] =	ssyncset.done $0x0  }
0xd8: {  	[sflag:s6] =	ssyncadd.s32 $0xFFFFCE00  }
0xd9: {  	_ =	swait.ge [sflag:s8], $0x3200  }
0xda: {  	[sflag:s8] =	ssyncset.done $0x0  }
0xdb: {  	[sflag:s8] =	ssyncadd.s32 $0xFFFFCE00  }
0xdc: {  	_ =	swait.ge [sflag:s9], $0x3200  }
0xdd: {  	[sflag:s9] =	ssyncset.done $0x0  }
0xde: {  	[sflag:s9] =	ssyncadd.s32 $0xFFFFCE00  }
0xdf: {  	_ =	swait.ge [sflag:s10], $0x3200  }
0xe0: {  	[sflag:s10] =	ssyncset.done $0x0  }
0xe1: {  	[sflag:s10] =	ssyncadd.s32 $0xFFFFCE00  }
0xe2: {  	_ =	swait.ge [sflag:s11], $0x3200  }
0xe3: {  	[sflag:s11] =	ssyncset.done $0x0  }
0xe4: {  	[sflag:s11] =	ssyncadd.s32 $0xFFFFCE00  }
0xe5: {  	_ =	swait.ge [sflag:s12], $0x3200  }
0xe6: {  	s14 =	rddreg [dreg:$0xe]  }
0xe7: {  	s15 =	rddreg [dreg:$0xc];
	s13 =	sadd.s32 $0x1, s14  }
0xe8: {  	p0 =	sne.s32 s13, s15  }
.Ltmp1:
0xe9: {  	_ = 	snop;
	(pc) =	sbr.rel @p0 .LBB2_1-.Ltmp1, $3  }
0xea: {  	_ =	sdelay $0x1  }
0xeb: {  	[sflag:s12] =	ssyncset.done $0x0  }
0xec: {  	[sflag:s12] =	ssyncadd.s32 $0xFFFFCE00  }
0xed: {  	_ =	sfence.sel $0x180000  }
0xee: {  	[bflag:$0x0] =	sbarrier.arrive $0xFFFF  }
0xef: {  	_ =	strace $0x90000047  }
0xf0: {  	s0 =	stileid.u32;
	[bflag:$0x2] =	sbarrier.arrive $0xFFFF  }
0xf1: {  	p0 =	sne.s32 s0, $0x0;
	s0 =	rddreg [dreg:$0x2]  }
0xf2: {  	s0 =	sadd.s32 @!p0 $0x100000, s0  }
0xf3: {  	[sflag:s0] =	ssyncadd.tile.s32 @!p0 $0x1;
	_ =	shalt  }
.Lfunc_end2:
_tile_overlayer_lowered:
.L_overlay_start_2:
0xf4: {  	(tag) =	ssettag $0x2  }
0xf5: {  	s0 =	rddreg [dreg:$0x0];
	s2 =	stileid.u32  }
0xf6: {  	s1 =	rddreg [dreg:$0x1];
	p0 =	sne.s32 s2, $0x0  }
0xf7: {  	s3 =	rddreg [dreg:$0x2];
	[bflag:$0x3] =	sbarrier.arrive $0xFFFF;
	s2 =	simm.s32 @!p0 $0x1C11  }
0xf8: {  	[timem:s3], [sflag:s2] =	dma.local @!p0 [hbm:s0], s1  }
0xf9: {  	s0 =	simm.s32 @!p0 $0x11  }
0xfa: {  	_ =	swait.ge @!p0 [sflag:s0], s1  }
0xfb: {  	s1 =	ssub.s32 @!p0 $0x0, s1;
	[sflag:s0] =	ssyncset.done @!p0 $0x0  }
0xfc: {  	[sflag:s0] =	ssyncadd.s32 @!p0 s1  }
0xfd: {  	[bflag:$0x3] =	sbarrier.arrive $0xFFFF  }
0xfe: {  	_ =	shalt  }

// kernel: sparse-core-data-format-call.cloned.1.call-start
scs
called_computation_lowered:
.L_overlay_start_0:
0x0: {  	s2 =	sld [smem:$0x3FD9]  }
0x1: {  	s3 =	sld [smem:$0x3FFE];
	_ =	sdelay $0x1  }
0x2: {  	s1 =	srdreg.scid  }
0x3: {  	s0 =	sand.u32 $0x1, s1  }
0x4: {  	s18 =	sshll.u32 s0, $0xA;
	s2 =	sadd.s32 s3, s2  }
0x5: {  	s2 =	sadd.s32 s2, s18  }
0x6: {  	[smem:$0x3FC6] =	sst s2  }
0x7: {  	_ = 	snop  }
0x8: {  	s2 =	sld [smem:$0x3FD0];
	(tm) =	ssettm $0x1  }
0x9: {  	s19 =	sld [smem:$0x3FFB];
	_ =	sdelay $0x3  }
0xa: {  	_ =	strace s19  }
0xb: {  	s3 =	sld [smem:$0x3FFC];
	_ =	sdelay $0x3  }
0xc: {  	_ =	strace s3  }
0xd: {  	s3 =	sld [smem:$0x3FFD];
	_ =	sdelay $0x3  }
0xe: {  	_ =	strace s3  }
0xf: {  	_ =	strace $0x8FFFFFFF  }
0x10: {  	s20 =	sld [smem:$0x3FDB];
	_ =	sdelay $0x1  }
0x11: {  	s4 =	simm.s32 $_scs_section_size  }
0x12: {  	s5 =	simm.s32 $_size__tile_overlayer_lowered;
	s6 =	simm.s32 $_tile_overlayer_lowered  }
0x13: {  	s23 =	simm.s32 $0x1BFF;
	s22 =	sshll.u32 s6, $0x1;
	s3 =	sadd.s32 s4, s20  }
0x14: {  	s7 =	simm.s32 $0x0;
	s21 =	sshll.u32 s5, $0x1;
	s5 =	sadd.s32 s22, s3  }
0x15: {  	[timem:s7], [sflag:s23] =	dma.local [hbm:s5], s21  }
0x16: {  	_ =	swait.ge [sflag:s23], s21  }
0x17: {  	s4 =	ssub.s32 $0x0, s21;
	[sflag:s23] =	ssyncset.done $0x0  }
0x18: {  	[sflag:s23] =	ssyncadd.s32 s4;
	_ =	sdelay $0x1  }
0x19: {  	s24 =	simm.s32 $0x1B8B  }
0x1a: {  	_ =	swait.ge [sflag:s24], $0x1  }
0x1b: {  	[sflag:s24] =	ssyncset.done $0x0  }
0x1c: {  	s26 =	simm.s32 $0x1B8E;
	s25 =	sld [smem:$0x3FFE];
	[sflag:s24] =	ssyncadd.s32 $0xFFFFFFFF  }
0x1d: {  	s27 =	simm.s32 $execute0_lowered;
	[smem:$0x3FD2] =	sst s26  }
0x1e: {  	s5 =	sshll.u32 s27, $0x1;
	_ =	strace $0x80000049;
	[dreg:$0x1] =	wrdreg $0xFFFFFFFF  }
0x1f: {  	s28 =	simm.s32 $_size_execute0_lowered;
	s3 =	sadd.s32 s3, s5;
	[dreg:$0x0] =	wrdreg $0x0  }
0x20: {  	s5 =	sshll.u32 s28, $0x1;
	[dreg:$0x2] =	wrdreg s3  }
0x21: {  	[dreg:$0x3] =	wrdreg s5  }
0x22: {  	[dreg:$0x4] =	wrdreg $0xC0  }
0x23: {  	_ =	task [dreg:s7], $0x5FFFF  }
0x24: {  	[dreg:$0x1] =	wrdreg $0xFFFFFFFF  }
0x25: {  	[dreg:$0x0] =	wrdreg $0x60  }
0x26: {  	[dreg:$0x2] =	wrdreg s25  }
0x27: {  	[dreg:$0x3] =	wrdreg s2  }
0x28: {  	[dreg:$0x4] =	wrdreg $0x9  }
0x29: {  	_ =	task.clear_ibuf [dreg:s7], $0x5FFFF;
	_ =	strace $0x90000049  }
0x2a: {  	s29 =	simm.s32 $0x9;
	_ =	strace $0x8000004B  }
0x2b: {  	_ =	swait.ge [sflag:s29], $0x1  }
0x2c: {  	[sflag:s29] =	ssyncadd.s32 $0xFFFFFFFF  }
0x2d: {  	_ =	strace $0x9000004B  }
0x2e: {  	_ =	sfence  }
0x2f: {  	s30 =	sld [smem:$0x0];
	_ =	sdelay $0x2  }
0x30: {  	s31 =	sshll.u32 s1, $0xD;
	s1 =	sshrl.u32 s1, $0x2  }
0x31: {  	s3 =	sand.u32 $0x4000, s31;
	s1 =	sadd.s32 s1, s30  }
0x32: {  	s0 =	sor.u32 s3, s0;
	s1 =	sshll.u32 s1, $0x11  }
0x33: {  	s0 =	sor.u32 s1, s0  }
0x34: {  	s0 =	sadd.s32 $0x8F2B, s0  }
0x35: {  	[sflag:s0] =	ssyncadd.remote.s32 $0x1  }
0x36: {  	_ =	sfence.sel $0xFFFF  }
0x37: {  	[dreg:$0x0] =	wrdreg $0xFFFFFFFF;
	(pc) =	sbr.abs _section_cstart, $3  }
0x38: {  	[dreg:$0x1] =	wrdreg $0xFFFFFFFF  }
0x39: {  	_ =	task.clear_ibuf [dreg:s7], $0x2FFFF;
	_ =	strace $0x9FFFFFFF  }
0x3a: {  	(tm) =	ssettm $0x7FFFFFFF  }
0x3b: {  	_ =	shalt  }
tec
execute0_lowered:
.L_overlay_start_1:
0x0: {  	(tag) =	ssettag $0x1  }
0x1: {  	s0 =	srdreg.scid  }
0x2: {  	s1 =	sshll.u32 s0, $0x4  }
0x3: {  	s0 =	stileid.u32;
	s1 =	sand.u32 $0x10, s1  }
0x4: {  	s1 =	sor.u32 s0, s1  }
0x5: {  	s6 =	rddreg [dreg:$0x0];
	s4 =	simm.s32 $0x1;
	s2 =	sshll.u32 s1, $0x7  }
0x6: {  	s7 =	simm.s32 $0x2;
	s12 =	simm.s32 $0x0;
	s1 =	ssub.s32 $0x1000, s2  }
0x7: {  	s8 =	simm.s32 $0x8000;
	s13 =	simm.s32 $0x0;
	s3 =	sand.u32 $0xF80, s1  }
0x8: {  	s9 =	simm.s32 $0x0;
	s5 =	sshrl.u32 s1, $0xC;
	p0 =	sne.s32 s3, $0x0  }
.Ltmp0:
0x9: {  	s1 =	rddreg [dreg:$0x2];
	s4 =	simm.s32 @!p0 $0x0;
	(pc) =	sbr.rel .LBB1_1-.Ltmp0, $4  }
0xa: {  	s11 =	simm.s32 $0x0;
	s3 =	rddreg [dreg:$0x1];
	s5 =	sadd.s32 s4, s5  }
0xb: {  	_ =	strace $0x8000004A;
	s4 =	simm.s32 $0x1;
	s5 =	smul.u32 $0xC8, s5  }
0xc: {  	s6 =	sadd.s32 $0xA00, s6;
	s10 =	smov.u32 s2;
	[sflag:s4] =	ssyncpa.u1 $0x0  }
0xd: {  	p0 =	por $0x0, $0x0;
	[sflag:s7] =	ssyncpa.u1 $0x0;
	s7 =	sor.u32 $0x1, s5  }
.LBB1_4:
0xe: {  	s16 =	sshll.u32 s13, $0x3;
	s17 =	sand.u32 $0x78, s13  }
0xf: {  	s30 =	sand.u32 $0x7E00, s13;
	s12 =	sshll.u32 s12, $0xF;
	s16 =	sand.u32 $0xC00, s16  }
0x10: {  	[tilespmem:s15+$0x810 ss:$0x81] =	vst.msk $0xffff, v2;
	s31 =	sand.u32 $0x7, s13;
	s16 =	sor.u32 s17, s16;
	s17 =	sadd.s32 s3, s30  }
0x11: {  	[tilespmem:s15+$0x1020 ss:$0x81] =	vst.msk $0xffff, v0;
	s13 =	sshll.u32 s31, $0x12;
	s12 =	sadd.s32 s12, s17;
	s16 =	sshrl.u32 s16, $0x3  }
0x12: {  	[tilespmem:s15+$0x0 ss:$0x81] =	vst.msk $0xffff, v1;
	s13 =	sor.u32 $0x400, s13;
	s12 =	sadd.s32 s16, s12  }
0x13: {  	[hbm4b:s12+s13] =	stream.strided.scatter [tilespmem:s14], [sflag:$0x2], $0x2000, s8, s13, $0x20;
	[tilespmem:$0x8080] =	vst v63  }
.LBB1_5:
0x14: {  	s14 =	sadd.s32 $0x1, s9  }
0x15: {  	s12 =	sadd.s32 $0x1000, s10;
	s16 =	smov.u32 s10;
	p2 =	sgt.s32 s14, $0xC7  }
0x16: {  	s16 =	smov.u32 @p2 s12  }
0x17: {  	s14 =	simm.s32 @p2 $0x0;
	p2 =	sgt.s32 s16, $0xFFF  }
0x18: {  	s16 =	smov.u32 @p2 s2;
	p2 =	sne.s32 s11, s7  }
.Ltmp1:
0x19: {  	p1 =	slt.u32 s11, $0x2;
	(pc) =	sbr.rel @!p2 .LBB1_6-.Ltmp1, $4  }
0x1a: {  	s15 =	simm.s32 @!p1 $0x2  }
0x1b: {  	s13 =	smov.u32 s10;
	p0 =	por !p0, !p0;
	_ =	swait.ge @!p1 [sflag:s15], $0x2000  }
0x1c: {  	s12 =	smov.u32 s9;
	[sflag:s15] =	ssyncset.done @!p1 $0x0;
	s9 =	smov.u32 s14  }
0x1d: {  	s11 =	sadd.s32 $0x1, s11;
	[sflag:s15] =	ssyncadd.s32 @!p1 $0xFFFFE000;
	s10 =	smov.u32 s16  }
.LBB1_1:
0x1e: {  	p1 =	sge.u32 s11, s5  }
0x1f: {  	s14 =	sand.u32 @!p1 $0x1FFFFFF, s9  }
0x20: {  	s15 =	smulhi.u32 @!p1 $0x147AE15, s14;
	_ =	sdelay $0x1  }
0x21: {  	s15 =	smul.u32 @!p1 $0xC8, s15  }
0x22: {  	s16 =	sxor.u32 @!p1 $0xFFFFFFFF, s11;
	s17 =	smul.u32 @!p1 $0xC80, s10  }
0x23: {  	s31 =	sadd.s32 $0xFFFFFFFF, s11;
	s16 =	sshll.u32 @!p1 s16, $0xD;
	s14 =	ssub.s32 @!p1 s14, s15  }
0x24: {  	s15 =	sand.u32 @!p1 $0x2000, s16;
	s16 =	sadd.s32 @!p1 s6, s17;
	s14 =	sshll.u32 @!p1 s14, $0x4  }
0x25: {  	s17 =	simm.s32 @!p1 $0x6400;
	s14 =	sadd.s32 @!p1 s14, s16;
	s16 =	simm.s32 @!p1 $0x40  }
0x26: {  	[tilespmem:s15], [sflag:$0x1] =	stream.strided.gather @!p1 [hbm4b:s14+s16], $0x2000, s17, s16, $0x38;
	[tilespmem:$0x8080] =	vst v63  }
0x27: {  	p1 =	sge.u32 s31, s5  }
.Ltmp2:
0x28: {  	_ = 	snop;
	(pc) =	sbr.rel @p1 .LBB1_5-.Ltmp2, $1  }
0x29: {  	_ =	sdelay $0x3  }
0x2a: {  	s14 =	simm.s32 $0x1  }
0x2b: {  	_ =	swait.ge [sflag:s4], $0x2000;
	s14 =	simm.s32 @!p0 $0x0  }
0x2c: {  	[sflag:s4] =	ssyncset.done $0x0;
	s15 =	sshll.u32 s14, $0xD  }
0x2d: {  	[sflag:s4] =	ssyncadd.s32 $0xFFFFE000;
	s18 =	sor.u32 $0x20, s15  }
0x2e: {  	s14 =	smul.u32 $0x8100, s14;
	v3 =	vld [tilespmem:s18+$0x10]  }
0x2f: {  	s30 =	sand.u32 $0x1, s11;
	v2 =	vld [tilespmem:s18+$0xFFFFFFF0]  }
0x30: {  	s15 =	smul.u32 $0x8100, s30;
	s14 =	sshrl.u32 s14, $0x2;
	v0 =	vld [tilespmem:s18+$0x0]  }
0x31: {  	v1 =	vld [tilespmem:s18+$0xFFFFFFE0];
	s16 =	sor.u32 $0x4000, s14  }
0x32: {  	s31 =	sshrl.u32 s15, $0x2;
	s15 =	sadd.s32 $0x0, s16  }
0x33: {  	s17 =	simm.s32 $0x4;
	s18 =	sadd.s32 $0x40, s18;
	s14 =	sor.u32 $0x4000, s31;
	[tilespmem:s15+$0x1830 ss:$0x81] =	vst.msk $0xffff, v3  }
.LBB1_3:
0x34: {  	v3 =	vld [tilespmem:s18+$0x10];
	p1 =	sne.s32 s17, $0x1FC;
	[tilespmem:s15+$0x810 ss:$0x81] =	vst.msk $0xffff, v2;
	s19 =	smov.u32 s17;
	s17 =	sadd.s32 $0x4, s17  }
.Ltmp3:
0x35: {  	v2 =	vld [tilespmem:s18+$0xFFFFFFF0];
	[tilespmem:s15+$0x1020 ss:$0x81] =	vst.msk $0xffff, v0;
	(pc) =	sbr.rel @p1 .LBB1_3-.Ltmp3, $4  }
0x36: {  	v0 =	vld [tilespmem:s18+$0x0];
	[tilespmem:s15+$0x0 ss:$0x81] =	vst.msk $0xffff, v1  }
0x37: {  	s15 =	sshra.s32 s19, $0x2;
	v1 =	vld [tilespmem:s18+$0xFFFFFFE0]  }
0x38: {  	s15 =	sadd.s32 s15, s16  }
0x39: {  	s18 =	sadd.s32 $0x40, s18;
	[tilespmem:s15+$0x1830 ss:$0x81] =	vst.msk $0xffff, v3  }
.Ltmp4:
0x3a: {  	_ = 	snop;
	(pc) =	sbr.rel .LBB1_4-.Ltmp4, $1  }
0x3b: {  	_ =	sdelay $0x3  }
.LBB1_6:
0x3c: {  	_ =	sfence.sel $0x180000  }
0x3d: {  	s2 =	simm.s32 $0x1;
	[bflag:$0x0] =	sbarrier.arrive $0xFFFF  }
0x3e: {  	s31 =	simm.s32 $0x2;
	[sflag:s2] =	ssyncpa.u1 $0x1  }
0x3f: {  	[sflag:s31] =	ssyncpa.u1 $0x1  }
0x40: {  	p0 =	sne.s32 s0, $0x0;
	_ =	strace $0x9000004A  }
0x41: {  	s0 =	sadd.s32 @!p0 $0x100000, s1;
	[bflag:$0x2] =	sbarrier.arrive $0xFFFF  }
0x42: {  	[sflag:s0] =	ssyncadd.tile.s32 @!p0 $0x1;
	_ =	shalt  }
.Lfunc_end1:
_tile_overlayer_lowered:
.L_overlay_start_2:
0x43: {  	(tag) =	ssettag $0x2  }
0x44: {  	s0 =	rddreg [dreg:$0x0];
	s2 =	stileid.u32  }
0x45: {  	s1 =	rddreg [dreg:$0x1];
	p0 =	sne.s32 s2, $0x0  }
0x46: {  	s3 =	rddreg [dreg:$0x2];
	[bflag:$0x3] =	sbarrier.arrive $0xFFFF;
	s2 =	simm.s32 @!p0 $0x1C01  }
0x47: {  	[timem:s3], [sflag:s2] =	dma.local @!p0 [hbm:s0], s1  }
0x48: {  	s0 =	simm.s32 @!p0 $0x1  }
0x49: {  	_ =	swait.ge @!p0 [sflag:s0], s1  }
0x4a: {  	s1 =	ssub.s32 @!p0 $0x0, s1;
	[sflag:s0] =	ssyncset.done @!p0 $0x0  }
0x4b: {  	[sflag:s0] =	ssyncadd.s32 @!p0 s1  }
0x4c: {  	[bflag:$0x3] =	sbarrier.arrive $0xFFFF  }
0x4d: {  	_ =	shalt  }

</sc_bundles>
